<compile_context>
chip_gen: v7x
topology: tpu7x:2x2x1
jax: 0.10.2.dev20260603
libtpu: 0.0.44.dev20260713+nightly
codegen_flags: <defaults>
</compile_context>

<pallas_src>
import jax
import jax.numpy as jnp
from jax.experimental import pallas as pl
from jax.experimental.pallas import tpu as pltpu

_K = 8
_NEG = -3.0e38
_LOG2E = 1.4426950408889634


def _topvals(arr, k):
    vals = []
    for i in range(k):
        cur = jnp.max(arr, axis=0, keepdims=True)
        vals.append(cur)
        if i < k - 1:
            arr = jnp.where(arr == cur, _NEG, arr)
    return vals


def _body(w_ref, x1_ref, x2_ref, o1_ref, o2_ref):
    w = w_ref[...]
    for x_ref, o_ref in ((x1_ref, o1_ref), (x2_ref, o2_ref)):
        x = x_ref[...]
        s = jax.lax.dot_general(
            w, x, (((1,), (0,)), ((), ())), preferred_element_type=jnp.float32
        )
        e = jnp.exp(s)
        z = jnp.sum(e, axis=0, keepdims=True)

        half = s.shape[0] // 2
        a = jnp.maximum(s[:half], s[half:])
        bq = jnp.minimum(s[:half], s[half:])
        quart = half // 2
        lvl2 = [
            (jnp.maximum(a[:quart], a[quart:]), _K),
            (jnp.minimum(a[:quart], a[quart:]), _K // 2),
            (jnp.maximum(bq[:quart], bq[quart:]), _K // 2),
            (jnp.minimum(bq[:quart], bq[quart:]), _K // 4),
        ]
        eighth = quart // 2
        cands = []
        for arr, k in lvl2:
            hi = jnp.maximum(arr[:eighth], arr[eighth:])
            lo = jnp.minimum(arr[:eighth], arr[eighth:])
            cands += _topvals(hi, k) + _topvals(lo, max(k // 2, 1))
        c = jnp.concatenate(cands, axis=0)
        top8 = []
        for i in range(_K):
            cur = jnp.max(c, axis=0, keepdims=True)
            top8.append(cur)
            if i < _K - 1:
                c = jnp.where(c == cur, _NEG, c)
        t8 = top8[-1]

        zinv = 1.0 / z
        g = jnp.where(s >= t8, jnp.exp(e * zinv), 0.0)
        denom = top8[0] * 0.0
        for v in top8:
            denom = denom + jnp.exp(jnp.exp(v) * zinv)
        o = jax.lax.dot_general(
            w, g, (((0,), (0,)), ((), ())), preferred_element_type=jnp.float32
        )
        o_ref[...] = o / denom


def kernel(input1, input2, mempool):
    b, c, h, wd = input1.shape
    n = b * h * wd
    x1 = input1.reshape(c, n)
    x2 = input2.reshape(c, n)
    r = 2048 if n % 2048 == 0 else n
    grid = n // r
    num_item = mempool.shape[0]

    o1, o2 = pl.pallas_call(
        _body,
        grid=(grid,),
        in_specs=[
            pl.BlockSpec((num_item, c), lambda i: (0, 0)),
            pl.BlockSpec((c, r), lambda i: (0, i)),
            pl.BlockSpec((c, r), lambda i: (0, i)),
        ],
        out_specs=[
            pl.BlockSpec((c, r), lambda i: (0, i)),
            pl.BlockSpec((c, r), lambda i: (0, i)),
        ],
        out_shape=[
            jax.ShapeDtypeStruct((c, n), jnp.float32),
            jax.ShapeDtypeStruct((c, n), jnp.float32),
        ],
        compiler_params=pltpu.CompilerParams(
            dimension_semantics=("parallel",),
        ),
    )(mempool, x1, x2)
    return (o1.reshape(b, c, h, wd), o2.reshape(b, c, h, wd))

# --- scband reference (transcript-rebuilt; emitter-appended) ---
"""Pipeline reference for scband-memory-51419348468246 (READ-ONLY COPY).

The authoritative reference and input builder live on the scoring server;
editing this copy changes nothing except your own understanding.
"""

import jax, jax.numpy as jnp
import numpy as np

DIM = 96
NUM_ITEM = 512
K = 8


def setup_inputs(seed: int = 0) -> dict:
    key = jax.random.key(seed)
    k1, k2, k3 = jax.random.split(key, 3)
    input1 = jax.random.normal(k1, (1, 96, 384, 384), dtype=jnp.float32)
    input2 = jax.random.normal(k2, (1, 96, 384, 384), dtype=jnp.float32)
    stdv = 1.0 / np.sqrt(DIM)
    mempool = jax.random.uniform(k3, (NUM_ITEM, DIM), minval=-stdv, maxval=stdv, dtype=jnp.float32)
    return {"input1": input1, "input2": input2, "mempool": mempool}


def _memorize(x, mempool, k):
    shape = x.shape
    # 4D path: permute (0,2,3,1) then flatten to [-1, C]
    q = jnp.transpose(x, (0, 2, 3, 1)).reshape(-1, shape[1])
    att = q @ mempool.T                      # [N, NUM_ITEM]
    att = jax.nn.softmax(att, axis=1)
    val, idx = jax.lax.top_k(att, k)         # [N, k]
    val = jax.nn.softmax(val, axis=1)
    rows = jnp.arange(att.shape[0])[:, None]
    att_sparse = jnp.zeros_like(att).at[rows, idx].set(val)
    out = att_sparse @ mempool               # [N, C]
    out = out.reshape(shape[0], shape[2], shape[3], shape[1])
    return jnp.transpose(out, (0, 3, 1, 2))


def reference(input1, input2, mempool):
    out1 = _memorize(input1, mempool, K)
    out2 = _memorize(input2, mempool, K)
    return (out1, out2)

if __name__ == "__main__":
    import jax
    _d = setup_inputs()
    print(jax.jit(kernel)(*tuple(_d.values())))

</pallas_src>

<mosaic_0001>
module attributes {stable_mosaic.version = 14 : i64} {
  func.func @_body(%arg0: i32, %arg1: memref<512x96xf32, #tpu.memory_space<vmem>>, %arg2: memref<96x2048xf32, #tpu.memory_space<vmem>>, %arg3: memref<96x2048xf32, #tpu.memory_space<vmem>>, %arg4: memref<96x2048xf32, #tpu.memory_space<vmem>>, %arg5: memref<96x2048xf32, #tpu.memory_space<vmem>>) attributes {dimension_semantics = [#tpu.dimension_semantics<parallel>], iteration_bounds = array<i64: 72>, scalar_prefetch = 0 : i64, scratch_operands = 0 : i64, tpu.core_type = #tpu.core_type<tc>, window_params = [{pipeline_mode = #tpu.pipeline_mode<synchronous>, transform_indices = @transform_0, window_bounds = array<i64: 512, 96>}, {transform_indices = @transform_1, window_bounds = array<i64: 96, 2048>}, {transform_indices = @transform_2, window_bounds = array<i64: 96, 2048>}, {transform_indices = @transform_3, window_bounds = array<i64: 96, 2048>}, {transform_indices = @transform_4, window_bounds = array<i64: 96, 2048>}]} {
    %get3A = arith.constant 0 : index
    %get3A_0 = arith.constant 0 : index
    %get3A_1 = vector.load %arg1[%get3A, %get3A_0] : memref<512x96xf32, #tpu.memory_space<vmem>>, vector<512x96xf32>
    %get3A_2 = arith.constant 0 : index
    %get3A_3 = arith.constant 0 : index
    %get3A_4 = vector.load %arg2[%get3A_2, %get3A_3] : memref<96x2048xf32, #tpu.memory_space<vmem>>, vector<96x2048xf32>
    %dot_general3A = arith.constant dense<0.000000e+00> : vector<512x2048xf32>
    %dot_general3A_5 = tpu.matmul %get3A_1, %get3A_4, %dot_general3A {dimension_numbers = #tpu.dot_dimension_numbers<[1], [0], [0], [1], [0, 0, 1, 1], [], []>, transpose_lhs_hint = false} : vector<512x96xf32>, vector<96x2048xf32>, vector<512x2048xf32> -> vector<512x2048xf32>
    %exp3A = math.exp %dot_general3A_5 : vector<512x2048xf32>
    %reduce_sum3A = arith.constant dense<0.000000e+00> : vector<2048xf32>
    %reduce_sum3A_6 = vector.multi_reduction <add>, %exp3A, %reduce_sum3A [0] : vector<512x2048xf32> to vector<2048xf32>
    %broadcast_in_dim3A = vector.shape_cast %reduce_sum3A_6 : vector<2048xf32> to vector<1x2048xf32>
    %slice3A = vector.extract_strided_slice %dot_general3A_5 {offsets = [0, 0], sizes = [256, 2048], strides = [1, 1]} : vector<512x2048xf32> to vector<256x2048xf32>
    %slice3A_7 = vector.extract_strided_slice %dot_general3A_5 {offsets = [256, 0], sizes = [256, 2048], strides = [1, 1]} : vector<512x2048xf32> to vector<256x2048xf32>
    %max3A = arith.maximumf %slice3A, %slice3A_7 : vector<256x2048xf32>
    %slice3A_8 = vector.extract_strided_slice %dot_general3A_5 {offsets = [0, 0], sizes = [256, 2048], strides = [1, 1]} : vector<512x2048xf32> to vector<256x2048xf32>
    %slice3A_9 = vector.extract_strided_slice %dot_general3A_5 {offsets = [256, 0], sizes = [256, 2048], strides = [1, 1]} : vector<512x2048xf32> to vector<256x2048xf32>
    %min3A = arith.minimumf %slice3A_8, %slice3A_9 : vector<256x2048xf32>
    %slice3A_10 = vector.extract_strided_slice %max3A {offsets = [0, 0], sizes = [128, 2048], strides = [1, 1]} : vector<256x2048xf32> to vector<128x2048xf32>
    %slice3A_11 = vector.extract_strided_slice %max3A {offsets = [128, 0], sizes = [128, 2048], strides = [1, 1]} : vector<256x2048xf32> to vector<128x2048xf32>
    %max3A_12 = arith.maximumf %slice3A_10, %slice3A_11 : vector<128x2048xf32>
    %slice3A_13 = vector.extract_strided_slice %max3A {offsets = [0, 0], sizes = [128, 2048], strides = [1, 1]} : vector<256x2048xf32> to vector<128x2048xf32>
    %slice3A_14 = vector.extract_strided_slice %max3A {offsets = [128, 0], sizes = [128, 2048], strides = [1, 1]} : vector<256x2048xf32> to vector<128x2048xf32>
    %min3A_15 = arith.minimumf %slice3A_13, %slice3A_14 : vector<128x2048xf32>
    %slice3A_16 = vector.extract_strided_slice %min3A {offsets = [0, 0], sizes = [128, 2048], strides = [1, 1]} : vector<256x2048xf32> to vector<128x2048xf32>
    %slice3A_17 = vector.extract_strided_slice %min3A {offsets = [128, 0], sizes = [128, 2048], strides = [1, 1]} : vector<256x2048xf32> to vector<128x2048xf32>
    %max3A_18 = arith.maximumf %slice3A_16, %slice3A_17 : vector<128x2048xf32>
    %slice3A_19 = vector.extract_strided_slice %min3A {offsets = [0, 0], sizes = [128, 2048], strides = [1, 1]} : vector<256x2048xf32> to vector<128x2048xf32>
    %slice3A_20 = vector.extract_strided_slice %min3A {offsets = [128, 0], sizes = [128, 2048], strides = [1, 1]} : vector<256x2048xf32> to vector<128x2048xf32>
    %min3A_21 = arith.minimumf %slice3A_19, %slice3A_20 : vector<128x2048xf32>
    %slice3A_22 = vector.extract_strided_slice %max3A_12 {offsets = [0, 0], sizes = [64, 2048], strides = [1, 1]} : vector<128x2048xf32> to vector<64x2048xf32>
    %slice3A_23 = vector.extract_strided_slice %max3A_12 {offsets = [64, 0], sizes = [64, 2048], strides = [1, 1]} : vector<128x2048xf32> to vector<64x2048xf32>
    %max3A_24 = arith.maximumf %slice3A_22, %slice3A_23 : vector<64x2048xf32>
    %slice3A_25 = vector.extract_strided_slice %max3A_12 {offsets = [0, 0], sizes = [64, 2048], strides = [1, 1]} : vector<128x2048xf32> to vector<64x2048xf32>
    %slice3A_26 = vector.extract_strided_slice %max3A_12 {offsets = [64, 0], sizes = [64, 2048], strides = [1, 1]} : vector<128x2048xf32> to vector<64x2048xf32>
    %min3A_27 = arith.minimumf %slice3A_25, %slice3A_26 : vector<64x2048xf32>
    %reduce_max3A = arith.constant dense<0xFF800000> : vector<2048xf32>
    %reduce_max3A_28 = vector.multi_reduction <maximumf>, %max3A_24, %reduce_max3A [0] : vector<64x2048xf32> to vector<2048xf32>
    %broadcast_in_dim3A_29 = vector.shape_cast %reduce_max3A_28 : vector<2048xf32> to vector<1x2048xf32>
    %eq3A = vector.broadcast %broadcast_in_dim3A_29 : vector<1x2048xf32> to vector<64x2048xf32>
    %eq3A_30 = arith.cmpf oeq, %max3A_24, %eq3A : vector<64x2048xf32>
    %jit3A = arith.constant -3.000000e+38 : f32
    %broadcast_in_dim3A_31 = vector.broadcast %jit3A : f32 to vector<64x2048xf32>
    %select_n3A = arith.select %eq3A_30, %broadcast_in_dim3A_31, %max3A_24 : vector<64x2048xi1>, vector<64x2048xf32>
    %reduce_max3A_32 = arith.constant dense<0xFF800000> : vector<2048xf32>
    %reduce_max3A_33 = vector.multi_reduction <maximumf>, %select_n3A, %reduce_max3A_32 [0] : vector<64x2048xf32> to vector<2048xf32>
    %broadcast_in_dim3A_34 = vector.shape_cast %reduce_max3A_33 : vector<2048xf32> to vector<1x2048xf32>
    %eq3A_35 = vector.broadcast %broadcast_in_dim3A_34 : vector<1x2048xf32> to vector<64x2048xf32>
    %eq3A_36 = arith.cmpf oeq, %select_n3A, %eq3A_35 : vector<64x2048xf32>
    %jit3A_37 = arith.constant -3.000000e+38 : f32
    %broadcast_in_dim3A_38 = vector.broadcast %jit3A_37 : f32 to vector<64x2048xf32>
    %select_n3A_39 = arith.select %eq3A_36, %broadcast_in_dim3A_38, %select_n3A : vector<64x2048xi1>, vector<64x2048xf32>
    %reduce_max3A_40 = arith.constant dense<0xFF800000> : vector<2048xf32>
    %reduce_max3A_41 = vector.multi_reduction <maximumf>, %select_n3A_39, %reduce_max3A_40 [0] : vector<64x2048xf32> to vector<2048xf32>
    %broadcast_in_dim3A_42 = vector.shape_cast %reduce_max3A_41 : vector<2048xf32> to vector<1x2048xf32>
    %eq3A_43 = vector.broadcast %broadcast_in_dim3A_42 : vector<1x2048xf32> to vector<64x2048xf32>
    %eq3A_44 = arith.cmpf oeq, %select_n3A_39, %eq3A_43 : vector<64x2048xf32>
    %jit3A_45 = arith.constant -3.000000e+38 : f32
    %broadcast_in_dim3A_46 = vector.broadcast %jit3A_45 : f32 to vector<64x2048xf32>
    %select_n3A_47 = arith.select %eq3A_44, %broadcast_in_dim3A_46, %select_n3A_39 : vector<64x2048xi1>, vector<64x2048xf32>
    %reduce_max3A_48 = arith.constant dense<0xFF800000> : vector<2048xf32>
    %reduce_max3A_49 = vector.multi_reduction <maximumf>, %select_n3A_47, %reduce_max3A_48 [0] : vector<64x2048xf32> to vector<2048xf32>
    %broadcast_in_dim3A_50 = vector.shape_cast %reduce_max3A_49 : vector<2048xf32> to vector<1x2048xf32>
    %eq3A_51 = vector.broadcast %broadcast_in_dim3A_50 : vector<1x2048xf32> to vector<64x2048xf32>
    %eq3A_52 = arith.cmpf oeq, %select_n3A_47, %eq3A_51 : vector<64x2048xf32>
    %jit3A_53 = arith.constant -3.000000e+38 : f32
    %broadcast_in_dim3A_54 = vector.broadcast %jit3A_53 : f32 to vector<64x2048xf32>
    %select_n3A_55 = arith.select %eq3A_52, %broadcast_in_dim3A_54, %select_n3A_47 : vector<64x2048xi1>, vector<64x2048xf32>
    %reduce_max3A_56 = arith.constant dense<0xFF800000> : vector<2048xf32>
    %reduce_max3A_57 = vector.multi_reduction <maximumf>, %select_n3A_55, %reduce_max3A_56 [0] : vector<64x2048xf32> to vector<2048xf32>
    %broadcast_in_dim3A_58 = vector.shape_cast %reduce_max3A_57 : vector<2048xf32> to vector<1x2048xf32>
    %eq3A_59 = vector.broadcast %broadcast_in_dim3A_58 : vector<1x2048xf32> to vector<64x2048xf32>
    %eq3A_60 = arith.cmpf oeq, %select_n3A_55, %eq3A_59 : vector<64x2048xf32>
    %jit3A_61 = arith.constant -3.000000e+38 : f32
    %broadcast_in_dim3A_62 = vector.broadcast %jit3A_61 : f32 to vector<64x2048xf32>
    %select_n3A_63 = arith.select %eq3A_60, %broadcast_in_dim3A_62, %select_n3A_55 : vector<64x2048xi1>, vector<64x2048xf32>
    %reduce_max3A_64 = arith.constant dense<0xFF800000> : vector<2048xf32>
    %reduce_max3A_65 = vector.multi_reduction <maximumf>, %select_n3A_63, %reduce_max3A_64 [0] : vector<64x2048xf32> to vector<2048xf32>
    %broadcast_in_dim3A_66 = vector.shape_cast %reduce_max3A_65 : vector<2048xf32> to vector<1x2048xf32>
    %eq3A_67 = vector.broadcast %broadcast_in_dim3A_66 : vector<1x2048xf32> to vector<64x2048xf32>
    %eq3A_68 = arith.cmpf oeq, %select_n3A_63, %eq3A_67 : vector<64x2048xf32>
    %jit3A_69 = arith.constant -3.000000e+38 : f32
    %broadcast_in_dim3A_70 = vector.broadcast %jit3A_69 : f32 to vector<64x2048xf32>
    %select_n3A_71 = arith.select %eq3A_68, %broadcast_in_dim3A_70, %select_n3A_63 : vector<64x2048xi1>, vector<64x2048xf32>
    %reduce_max3A_72 = arith.constant dense<0xFF800000> : vector<2048xf32>
    %reduce_max3A_73 = vector.multi_reduction <maximumf>, %select_n3A_71, %reduce_max3A_72 [0] : vector<64x2048xf32> to vector<2048xf32>
    %broadcast_in_dim3A_74 = vector.shape_cast %reduce_max3A_73 : vector<2048xf32> to vector<1x2048xf32>
    %eq3A_75 = vector.broadcast %broadcast_in_dim3A_74 : vector<1x2048xf32> to vector<64x2048xf32>
    %eq3A_76 = arith.cmpf oeq, %select_n3A_71, %eq3A_75 : vector<64x2048xf32>
    %jit3A_77 = arith.constant -3.000000e+38 : f32
    %broadcast_in_dim3A_78 = vector.broadcast %jit3A_77 : f32 to vector<64x2048xf32>
    %select_n3A_79 = arith.select %eq3A_76, %broadcast_in_dim3A_78, %select_n3A_71 : vector<64x2048xi1>, vector<64x2048xf32>
    %reduce_max3A_80 = arith.constant dense<0xFF800000> : vector<2048xf32>
    %reduce_max3A_81 = vector.multi_reduction <maximumf>, %select_n3A_79, %reduce_max3A_80 [0] : vector<64x2048xf32> to vector<2048xf32>
    %broadcast_in_dim3A_82 = vector.shape_cast %reduce_max3A_81 : vector<2048xf32> to vector<1x2048xf32>
    %reduce_max3A_83 = arith.constant dense<0xFF800000> : vector<2048xf32>
    %reduce_max3A_84 = vector.multi_reduction <maximumf>, %min3A_27, %reduce_max3A_83 [0] : vector<64x2048xf32> to vector<2048xf32>
    %broadcast_in_dim3A_85 = vector.shape_cast %reduce_max3A_84 : vector<2048xf32> to vector<1x2048xf32>
    %eq3A_86 = vector.broadcast %broadcast_in_dim3A_85 : vector<1x2048xf32> to vector<64x2048xf32>
    %eq3A_87 = arith.cmpf oeq, %min3A_27, %eq3A_86 : vector<64x2048xf32>
    %jit3A_88 = arith.constant -3.000000e+38 : f32
    %broadcast_in_dim3A_89 = vector.broadcast %jit3A_88 : f32 to vector<64x2048xf32>
    %select_n3A_90 = arith.select %eq3A_87, %broadcast_in_dim3A_89, %min3A_27 : vector<64x2048xi1>, vector<64x2048xf32>
    %reduce_max3A_91 = arith.constant dense<0xFF800000> : vector<2048xf32>
    %reduce_max3A_92 = vector.multi_reduction <maximumf>, %select_n3A_90, %reduce_max3A_91 [0] : vector<64x2048xf32> to vector<2048xf32>
    %broadcast_in_dim3A_93 = vector.shape_cast %reduce_max3A_92 : vector<2048xf32> to vector<1x2048xf32>
    %eq3A_94 = vector.broadcast %broadcast_in_dim3A_93 : vector<1x2048xf32> to vector<64x2048xf32>
    %eq3A_95 = arith.cmpf oeq, %select_n3A_90, %eq3A_94 : vector<64x2048xf32>
    %jit3A_96 = arith.constant -3.000000e+38 : f32
    %broadcast_in_dim3A_97 = vector.broadcast %jit3A_96 : f32 to vector<64x2048xf32>
    %select_n3A_98 = arith.select %eq3A_95, %broadcast_in_dim3A_97, %select_n3A_90 : vector<64x2048xi1>, vector<64x2048xf32>
    %reduce_max3A_99 = arith.constant dense<0xFF800000> : vector<2048xf32>
    %reduce_max3A_100 = vector.multi_reduction <maximumf>, %select_n3A_98, %reduce_max3A_99 [0] : vector<64x2048xf32> to vector<2048xf32>
    %broadcast_in_dim3A_101 = vector.shape_cast %reduce_max3A_100 : vector<2048xf32> to vector<1x2048xf32>
    %eq3A_102 = vector.broadcast %broadcast_in_dim3A_101 : vector<1x2048xf32> to vector<64x2048xf32>
    %eq3A_103 = arith.cmpf oeq, %select_n3A_98, %eq3A_102 : vector<64x2048xf32>
    %jit3A_104 = arith.constant -3.000000e+38 : f32
    %broadcast_in_dim3A_105 = vector.broadcast %jit3A_104 : f32 to vector<64x2048xf32>
    %select_n3A_106 = arith.select %eq3A_103, %broadcast_in_dim3A_105, %select_n3A_98 : vector<64x2048xi1>, vector<64x2048xf32>
    %reduce_max3A_107 = arith.constant dense<0xFF800000> : vector<2048xf32>
    %reduce_max3A_108 = vector.multi_reduction <maximumf>, %select_n3A_106, %reduce_max3A_107 [0] : vector<64x2048xf32> to vector<2048xf32>
    %broadcast_in_dim3A_109 = vector.shape_cast %reduce_max3A_108 : vector<2048xf32> to vector<1x2048xf32>
    %slice3A_110 = vector.extract_strided_slice %min3A_15 {offsets = [0, 0], sizes = [64, 2048], strides = [1, 1]} : vector<128x2048xf32> to vector<64x2048xf32>
    %slice3A_111 = vector.extract_strided_slice %min3A_15 {offsets = [64, 0], sizes = [64, 2048], strides = [1, 1]} : vector<128x2048xf32> to vector<64x2048xf32>
    %max3A_112 = arith.maximumf %slice3A_110, %slice3A_111 : vector<64x2048xf32>
    %slice3A_113 = vector.extract_strided_slice %min3A_15 {offsets = [0, 0], sizes = [64, 2048], strides = [1, 1]} : vector<128x2048xf32> to vector<64x2048xf32>
    %slice3A_114 = vector.extract_strided_slice %min3A_15 {offsets = [64, 0], sizes = [64, 2048], strides = [1, 1]} : vector<128x2048xf32> to vector<64x2048xf32>
    %min3A_115 = arith.minimumf %slice3A_113, %slice3A_114 : vector<64x2048xf32>
    %reduce_max3A_116 = arith.constant dense<0xFF800000> : vector<2048xf32>
    %reduce_max3A_117 = vector.multi_reduction <maximumf>, %max3A_112, %reduce_max3A_116 [0] : vector<64x2048xf32> to vector<2048xf32>
    %broadcast_in_dim3A_118 = vector.shape_cast %reduce_max3A_117 : vector<2048xf32> to vector<1x2048xf32>
    %eq3A_119 = vector.broadcast %broadcast_in_dim3A_118 : vector<1x2048xf32> to vector<64x2048xf32>
    %eq3A_120 = arith.cmpf oeq, %max3A_112, %eq3A_119 : vector<64x2048xf32>
    %jit3A_121 = arith.constant -3.000000e+38 : f32
    %broadcast_in_dim3A_122 = vector.broadcast %jit3A_121 : f32 to vector<64x2048xf32>
    %select_n3A_123 = arith.select %eq3A_120, %broadcast_in_dim3A_122, %max3A_112 : vector<64x2048xi1>, vector<64x2048xf32>
    %reduce_max3A_124 = arith.constant dense<0xFF800000> : vector<2048xf32>
    %reduce_max3A_125 = vector.multi_reduction <maximumf>, %select_n3A_123, %reduce_max3A_124 [0] : vector<64x2048xf32> to vector<2048xf32>
    %broadcast_in_dim3A_126 = vector.shape_cast %reduce_max3A_125 : vector<2048xf32> to vector<1x2048xf32>
    %eq3A_127 = vector.broadcast %broadcast_in_dim3A_126 : vector<1x2048xf32> to vector<64x2048xf32>
    %eq3A_128 = arith.cmpf oeq, %select_n3A_123, %eq3A_127 : vector<64x2048xf32>
    %jit3A_129 = arith.constant -3.000000e+38 : f32
    %broadcast_in_dim3A_130 = vector.broadcast %jit3A_129 : f32 to vector<64x2048xf32>
    %select_n3A_131 = arith.select %eq3A_128, %broadcast_in_dim3A_130, %select_n3A_123 : vector<64x2048xi1>, vector<64x2048xf32>
    %reduce_max3A_132 = arith.constant dense<0xFF800000> : vector<2048xf32>
    %reduce_max3A_133 = vector.multi_reduction <maximumf>, %select_n3A_131, %reduce_max3A_132 [0] : vector<64x2048xf32> to vector<2048xf32>
    %broadcast_in_dim3A_134 = vector.shape_cast %reduce_max3A_133 : vector<2048xf32> to vector<1x2048xf32>
    %eq3A_135 = vector.broadcast %broadcast_in_dim3A_134 : vector<1x2048xf32> to vector<64x2048xf32>
    %eq3A_136 = arith.cmpf oeq, %select_n3A_131, %eq3A_135 : vector<64x2048xf32>
    %jit3A_137 = arith.constant -3.000000e+38 : f32
    %broadcast_in_dim3A_138 = vector.broadcast %jit3A_137 : f32 to vector<64x2048xf32>
    %select_n3A_139 = arith.select %eq3A_136, %broadcast_in_dim3A_138, %select_n3A_131 : vector<64x2048xi1>, vector<64x2048xf32>
    %reduce_max3A_140 = arith.constant dense<0xFF800000> : vector<2048xf32>
    %reduce_max3A_141 = vector.multi_reduction <maximumf>, %select_n3A_139, %reduce_max3A_140 [0] : vector<64x2048xf32> to vector<2048xf32>
    %broadcast_in_dim3A_142 = vector.shape_cast %reduce_max3A_141 : vector<2048xf32> to vector<1x2048xf32>
    %reduce_max3A_143 = arith.constant dense<0xFF800000> : vector<2048xf32>
    %reduce_max3A_144 = vector.multi_reduction <maximumf>, %min3A_115, %reduce_max3A_143 [0] : vector<64x2048xf32> to vector<2048xf32>
    %broadcast_in_dim3A_145 = vector.shape_cast %reduce_max3A_144 : vector<2048xf32> to vector<1x2048xf32>
    %eq3A_146 = vector.broadcast %broadcast_in_dim3A_145 : vector<1x2048xf32> to vector<64x2048xf32>
    %eq3A_147 = arith.cmpf oeq, %min3A_115, %eq3A_146 : vector<64x2048xf32>
    %jit3A_148 = arith.constant -3.000000e+38 : f32
    %broadcast_in_dim3A_149 = vector.broadcast %jit3A_148 : f32 to vector<64x2048xf32>
    %select_n3A_150 = arith.select %eq3A_147, %broadcast_in_dim3A_149, %min3A_115 : vector<64x2048xi1>, vector<64x2048xf32>
    %reduce_max3A_151 = arith.constant dense<0xFF800000> : vector<2048xf32>
    %reduce_max3A_152 = vector.multi_reduction <maximumf>, %select_n3A_150, %reduce_max3A_151 [0] : vector<64x2048xf32> to vector<2048xf32>
    %broadcast_in_dim3A_153 = vector.shape_cast %reduce_max3A_152 : vector<2048xf32> to vector<1x2048xf32>
    %slice3A_154 = vector.extract_strided_slice %max3A_18 {offsets = [0, 0], sizes = [64, 2048], strides = [1, 1]} : vector<128x2048xf32> to vector<64x2048xf32>
    %slice3A_155 = vector.extract_strided_slice %max3A_18 {offsets = [64, 0], sizes = [64, 2048], strides = [1, 1]} : vector<128x2048xf32> to vector<64x2048xf32>
    %max3A_156 = arith.maximumf %slice3A_154, %slice3A_155 : vector<64x2048xf32>
    %slice3A_157 = vector.extract_strided_slice %max3A_18 {offsets = [0, 0], sizes = [64, 2048], strides = [1, 1]} : vector<128x2048xf32> to vector<64x2048xf32>
    %slice3A_158 = vector.extract_strided_slice %max3A_18 {offsets = [64, 0], sizes = [64, 2048], strides = [1, 1]} : vector<128x2048xf32> to vector<64x2048xf32>
    %min3A_159 = arith.minimumf %slice3A_157, %slice3A_158 : vector<64x2048xf32>
    %reduce_max3A_160 = arith.constant dense<0xFF800000> : vector<2048xf32>
    %reduce_max3A_161 = vector.multi_reduction <maximumf>, %max3A_156, %reduce_max3A_160 [0] : vector<64x2048xf32> to vector<2048xf32>
    %broadcast_in_dim3A_162 = vector.shape_cast %reduce_max3A_161 : vector<2048xf32> to vector<1x2048xf32>
    %eq3A_163 = vector.broadcast %broadcast_in_dim3A_162 : vector<1x2048xf32> to vector<64x2048xf32>
    %eq3A_164 = arith.cmpf oeq, %max3A_156, %eq3A_163 : vector<64x2048xf32>
    %jit3A_165 = arith.constant -3.000000e+38 : f32
    %broadcast_in_dim3A_166 = vector.broadcast %jit3A_165 : f32 to vector<64x2048xf32>
    %select_n3A_167 = arith.select %eq3A_164, %broadcast_in_dim3A_166, %max3A_156 : vector<64x2048xi1>, vector<64x2048xf32>
    %reduce_max3A_168 = arith.constant dense<0xFF800000> : vector<2048xf32>
    %reduce_max3A_169 = vector.multi_reduction <maximumf>, %select_n3A_167, %reduce_max3A_168 [0] : vector<64x2048xf32> to vector<2048xf32>
    %broadcast_in_dim3A_170 = vector.shape_cast %reduce_max3A_169 : vector<2048xf32> to vector<1x2048xf32>
    %eq3A_171 = vector.broadcast %broadcast_in_dim3A_170 : vector<1x2048xf32> to vector<64x2048xf32>
    %eq3A_172 = arith.cmpf oeq, %select_n3A_167, %eq3A_171 : vector<64x2048xf32>
    %jit3A_173 = arith.constant -3.000000e+38 : f32
    %broadcast_in_dim3A_174 = vector.broadcast %jit3A_173 : f32 to vector<64x2048xf32>
    %select_n3A_175 = arith.select %eq3A_172, %broadcast_in_dim3A_174, %select_n3A_167 : vector<64x2048xi1>, vector<64x2048xf32>
    %reduce_max3A_176 = arith.constant dense<0xFF800000> : vector<2048xf32>
    %reduce_max3A_177 = vector.multi_reduction <maximumf>, %select_n3A_175, %reduce_max3A_176 [0] : vector<64x2048xf32> to vector<2048xf32>
    %broadcast_in_dim3A_178 = vector.shape_cast %reduce_max3A_177 : vector<2048xf32> to vector<1x2048xf32>
    %eq3A_179 = vector.broadcast %broadcast_in_dim3A_178 : vector<1x2048xf32> to vector<64x2048xf32>
    %eq3A_180 = arith.cmpf oeq, %select_n3A_175, %eq3A_179 : vector<64x2048xf32>
    %jit3A_181 = arith.constant -3.000000e+38 : f32
    %broadcast_in_dim3A_182 = vector.broadcast %jit3A_181 : f32 to vector<64x2048xf32>
    %select_n3A_183 = arith.select %eq3A_180, %broadcast_in_dim3A_182, %select_n3A_175 : vector<64x2048xi1>, vector<64x2048xf32>
    %reduce_max3A_184 = arith.constant dense<0xFF800000> : vector<2048xf32>
    %reduce_max3A_185 = vector.multi_reduction <maximumf>, %select_n3A_183, %reduce_max3A_184 [0] : vector<64x2048xf32> to vector<2048xf32>
    %broadcast_in_dim3A_186 = vector.shape_cast %reduce_max3A_185 : vector<2048xf32> to vector<1x2048xf32>
    %reduce_max3A_187 = arith.constant dense<0xFF800000> : vector<2048xf32>
    %reduce_max3A_188 = vector.multi_reduction <maximumf>, %min3A_159, %reduce_max3A_187 [0] : vector<64x2048xf32> to vector<2048xf32>
    %broadcast_in_dim3A_189 = vector.shape_cast %reduce_max3A_188 : vector<2048xf32> to vector<1x2048xf32>
    %eq3A_190 = vector.broadcast %broadcast_in_dim3A_189 : vector<1x2048xf32> to vector<64x2048xf32>
    %eq3A_191 = arith.cmpf oeq, %min3A_159, %eq3A_190 : vector<64x2048xf32>
    %jit3A_192 = arith.constant -3.000000e+38 : f32
    %broadcast_in_dim3A_193 = vector.broadcast %jit3A_192 : f32 to vector<64x2048xf32>
    %select_n3A_194 = arith.select %eq3A_191, %broadcast_in_dim3A_193, %min3A_159 : vector<64x2048xi1>, vector<64x2048xf32>
    %reduce_max3A_195 = arith.constant dense<0xFF800000> : vector<2048xf32>
    %reduce_max3A_196 = vector.multi_reduction <maximumf>, %select_n3A_194, %reduce_max3A_195 [0] : vector<64x2048xf32> to vector<2048xf32>
    %broadcast_in_dim3A_197 = vector.shape_cast %reduce_max3A_196 : vector<2048xf32> to vector<1x2048xf32>
    %slice3A_198 = vector.extract_strided_slice %min3A_21 {offsets = [0, 0], sizes = [64, 2048], strides = [1, 1]} : vector<128x2048xf32> to vector<64x2048xf32>
    %slice3A_199 = vector.extract_strided_slice %min3A_21 {offsets = [64, 0], sizes = [64, 2048], strides = [1, 1]} : vector<128x2048xf32> to vector<64x2048xf32>
    %max3A_200 = arith.maximumf %slice3A_198, %slice3A_199 : vector<64x2048xf32>
    %slice3A_201 = vector.extract_strided_slice %min3A_21 {offsets = [0, 0], sizes = [64, 2048], strides = [1, 1]} : vector<128x2048xf32> to vector<64x2048xf32>
    %slice3A_202 = vector.extract_strided_slice %min3A_21 {offsets = [64, 0], sizes = [64, 2048], strides = [1, 1]} : vector<128x2048xf32> to vector<64x2048xf32>
    %min3A_203 = arith.minimumf %slice3A_201, %slice3A_202 : vector<64x2048xf32>
    %reduce_max3A_204 = arith.constant dense<0xFF800000> : vector<2048xf32>
    %reduce_max3A_205 = vector.multi_reduction <maximumf>, %max3A_200, %reduce_max3A_204 [0] : vector<64x2048xf32> to vector<2048xf32>
    %broadcast_in_dim3A_206 = vector.shape_cast %reduce_max3A_205 : vector<2048xf32> to vector<1x2048xf32>
    %eq3A_207 = vector.broadcast %broadcast_in_dim3A_206 : vector<1x2048xf32> to vector<64x2048xf32>
    %eq3A_208 = arith.cmpf oeq, %max3A_200, %eq3A_207 : vector<64x2048xf32>
    %jit3A_209 = arith.constant -3.000000e+38 : f32
    %broadcast_in_dim3A_210 = vector.broadcast %jit3A_209 : f32 to vector<64x2048xf32>
    %select_n3A_211 = arith.select %eq3A_208, %broadcast_in_dim3A_210, %max3A_200 : vector<64x2048xi1>, vector<64x2048xf32>
    %reduce_max3A_212 = arith.constant dense<0xFF800000> : vector<2048xf32>
    %reduce_max3A_213 = vector.multi_reduction <maximumf>, %select_n3A_211, %reduce_max3A_212 [0] : vector<64x2048xf32> to vector<2048xf32>
    %broadcast_in_dim3A_214 = vector.shape_cast %reduce_max3A_213 : vector<2048xf32> to vector<1x2048xf32>
    %reduce_max3A_215 = arith.constant dense<0xFF800000> : vector<2048xf32>
    %reduce_max3A_216 = vector.multi_reduction <maximumf>, %min3A_203, %reduce_max3A_215 [0] : vector<64x2048xf32> to vector<2048xf32>
    %broadcast_in_dim3A_217 = vector.shape_cast %reduce_max3A_216 : vector<2048xf32> to vector<1x2048xf32>
    %concatenate3A = tpu.concatenate %broadcast_in_dim3A_29, %broadcast_in_dim3A_34, %broadcast_in_dim3A_42, %broadcast_in_dim3A_50, %broadcast_in_dim3A_58, %broadcast_in_dim3A_66, %broadcast_in_dim3A_74, %broadcast_in_dim3A_82, %broadcast_in_dim3A_85, %broadcast_in_dim3A_93, %broadcast_in_dim3A_101, %broadcast_in_dim3A_109, %broadcast_in_dim3A_118, %broadcast_in_dim3A_126, %broadcast_in_dim3A_134, %broadcast_in_dim3A_142, %broadcast_in_dim3A_145, %broadcast_in_dim3A_153, %broadcast_in_dim3A_162, %broadcast_in_dim3A_170, %broadcast_in_dim3A_178, %broadcast_in_dim3A_186, %broadcast_in_dim3A_189, %broadcast_in_dim3A_197, %broadcast_in_dim3A_206, %broadcast_in_dim3A_214, %broadcast_in_dim3A_217 in 0 : vector<1x2048xf32>, vector<1x2048xf32>, vector<1x2048xf32>, vector<1x2048xf32>, vector<1x2048xf32>, vector<1x2048xf32>, vector<1x2048xf32>, vector<1x2048xf32>, vector<1x2048xf32>, vector<1x2048xf32>, vector<1x2048xf32>, vector<1x2048xf32>, vector<1x2048xf32>, vector<1x2048xf32>, vector<1x2048xf32>, vector<1x2048xf32>, vector<1x2048xf32>, vector<1x2048xf32>, vector<1x2048xf32>, vector<1x2048xf32>, vector<1x2048xf32>, vector<1x2048xf32>, vector<1x2048xf32>, vector<1x2048xf32>, vector<1x2048xf32>, vector<1x2048xf32>, vector<1x2048xf32> -> vector<27x2048xf32>
    %reduce_max3A_218 = arith.constant dense<0xFF800000> : vector<2048xf32>
    %reduce_max3A_219 = vector.multi_reduction <maximumf>, %concatenate3A, %reduce_max3A_218 [0] : vector<27x2048xf32> to vector<2048xf32>
    %broadcast_in_dim3A_220 = vector.shape_cast %reduce_max3A_219 : vector<2048xf32> to vector<1x2048xf32>
    %eq3A_221 = vector.broadcast %broadcast_in_dim3A_220 : vector<1x2048xf32> to vector<27x2048xf32>
    %eq3A_222 = arith.cmpf oeq, %concatenate3A, %eq3A_221 : vector<27x2048xf32>
    %jit3A_223 = arith.constant -3.000000e+38 : f32
    %broadcast_in_dim3A_224 = vector.broadcast %jit3A_223 : f32 to vector<27x2048xf32>
    %select_n3A_225 = arith.select %eq3A_222, %broadcast_in_dim3A_224, %concatenate3A : vector<27x2048xi1>, vector<27x2048xf32>
    %reduce_max3A_226 = arith.constant dense<0xFF800000> : vector<2048xf32>
    %reduce_max3A_227 = vector.multi_reduction <maximumf>, %select_n3A_225, %reduce_max3A_226 [0] : vector<27x2048xf32> to vector<2048xf32>
    %broadcast_in_dim3A_228 = vector.shape_cast %reduce_max3A_227 : vector<2048xf32> to vector<1x2048xf32>
    %eq3A_229 = vector.broadcast %broadcast_in_dim3A_228 : vector<1x2048xf32> to vector<27x2048xf32>
    %eq3A_230 = arith.cmpf oeq, %select_n3A_225, %eq3A_229 : vector<27x2048xf32>
    %jit3A_231 = arith.constant -3.000000e+38 : f32
    %broadcast_in_dim3A_232 = vector.broadcast %jit3A_231 : f32 to vector<27x2048xf32>
    %select_n3A_233 = arith.select %eq3A_230, %broadcast_in_dim3A_232, %select_n3A_225 : vector<27x2048xi1>, vector<27x2048xf32>
    %reduce_max3A_234 = arith.constant dense<0xFF800000> : vector<2048xf32>
    %reduce_max3A_235 = vector.multi_reduction <maximumf>, %select_n3A_233, %reduce_max3A_234 [0] : vector<27x2048xf32> to vector<2048xf32>
    %broadcast_in_dim3A_236 = vector.shape_cast %reduce_max3A_235 : vector<2048xf32> to vector<1x2048xf32>
    %eq3A_237 = vector.broadcast %broadcast_in_dim3A_236 : vector<1x2048xf32> to vector<27x2048xf32>
    %eq3A_238 = arith.cmpf oeq, %select_n3A_233, %eq3A_237 : vector<27x2048xf32>
    %jit3A_239 = arith.constant -3.000000e+38 : f32
    %broadcast_in_dim3A_240 = vector.broadcast %jit3A_239 : f32 to vector<27x2048xf32>
    %select_n3A_241 = arith.select %eq3A_238, %broadcast_in_dim3A_240, %select_n3A_233 : vector<27x2048xi1>, vector<27x2048xf32>
    %reduce_max3A_242 = arith.constant dense<0xFF800000> : vector<2048xf32>
    %reduce_max3A_243 = vector.multi_reduction <maximumf>, %select_n3A_241, %reduce_max3A_242 [0] : vector<27x2048xf32> to vector<2048xf32>
    %broadcast_in_dim3A_244 = vector.shape_cast %reduce_max3A_243 : vector<2048xf32> to vector<1x2048xf32>
    %eq3A_245 = vector.broadcast %broadcast_in_dim3A_244 : vector<1x2048xf32> to vector<27x2048xf32>
    %eq3A_246 = arith.cmpf oeq, %select_n3A_241, %eq3A_245 : vector<27x2048xf32>
    %jit3A_247 = arith.constant -3.000000e+38 : f32
    %broadcast_in_dim3A_248 = vector.broadcast %jit3A_247 : f32 to vector<27x2048xf32>
    %select_n3A_249 = arith.select %eq3A_246, %broadcast_in_dim3A_248, %select_n3A_241 : vector<27x2048xi1>, vector<27x2048xf32>
    %reduce_max3A_250 = arith.constant dense<0xFF800000> : vector<2048xf32>
    %reduce_max3A_251 = vector.multi_reduction <maximumf>, %select_n3A_249, %reduce_max3A_250 [0] : vector<27x2048xf32> to vector<2048xf32>
    %broadcast_in_dim3A_252 = vector.shape_cast %reduce_max3A_251 : vector<2048xf32> to vector<1x2048xf32>
    %eq3A_253 = vector.broadcast %broadcast_in_dim3A_252 : vector<1x2048xf32> to vector<27x2048xf32>
    %eq3A_254 = arith.cmpf oeq, %select_n3A_249, %eq3A_253 : vector<27x2048xf32>
    %jit3A_255 = arith.constant -3.000000e+38 : f32
    %broadcast_in_dim3A_256 = vector.broadcast %jit3A_255 : f32 to vector<27x2048xf32>
    %select_n3A_257 = arith.select %eq3A_254, %broadcast_in_dim3A_256, %select_n3A_249 : vector<27x2048xi1>, vector<27x2048xf32>
    %reduce_max3A_258 = arith.constant dense<0xFF800000> : vector<2048xf32>
    %reduce_max3A_259 = vector.multi_reduction <maximumf>, %select_n3A_257, %reduce_max3A_258 [0] : vector<27x2048xf32> to vector<2048xf32>
    %broadcast_in_dim3A_260 = vector.shape_cast %reduce_max3A_259 : vector<2048xf32> to vector<1x2048xf32>
    %eq3A_261 = vector.broadcast %broadcast_in_dim3A_260 : vector<1x2048xf32> to vector<27x2048xf32>
    %eq3A_262 = arith.cmpf oeq, %select_n3A_257, %eq3A_261 : vector<27x2048xf32>
    %jit3A_263 = arith.constant -3.000000e+38 : f32
    %broadcast_in_dim3A_264 = vector.broadcast %jit3A_263 : f32 to vector<27x2048xf32>
    %select_n3A_265 = arith.select %eq3A_262, %broadcast_in_dim3A_264, %select_n3A_257 : vector<27x2048xi1>, vector<27x2048xf32>
    %reduce_max3A_266 = arith.constant dense<0xFF800000> : vector<2048xf32>
    %reduce_max3A_267 = vector.multi_reduction <maximumf>, %select_n3A_265, %reduce_max3A_266 [0] : vector<27x2048xf32> to vector<2048xf32>
    %broadcast_in_dim3A_268 = vector.shape_cast %reduce_max3A_267 : vector<2048xf32> to vector<1x2048xf32>
    %eq3A_269 = vector.broadcast %broadcast_in_dim3A_268 : vector<1x2048xf32> to vector<27x2048xf32>
    %eq3A_270 = arith.cmpf oeq, %select_n3A_265, %eq3A_269 : vector<27x2048xf32>
    %jit3A_271 = arith.constant -3.000000e+38 : f32
    %broadcast_in_dim3A_272 = vector.broadcast %jit3A_271 : f32 to vector<27x2048xf32>
    %select_n3A_273 = arith.select %eq3A_270, %broadcast_in_dim3A_272, %select_n3A_265 : vector<27x2048xi1>, vector<27x2048xf32>
    %reduce_max3A_274 = arith.constant dense<0xFF800000> : vector<2048xf32>
    %reduce_max3A_275 = vector.multi_reduction <maximumf>, %select_n3A_273, %reduce_max3A_274 [0] : vector<27x2048xf32> to vector<2048xf32>
    %broadcast_in_dim3A_276 = vector.shape_cast %reduce_max3A_275 : vector<2048xf32> to vector<1x2048xf32>
    %div3A = arith.constant 1.000000e+00 : f32
    %div3A_277 = vector.broadcast %div3A : f32 to vector<1x2048xf32>
    %div3A_278 = arith.divf %div3A_277, %broadcast_in_dim3A : vector<1x2048xf32>
    %ge3A = vector.broadcast %broadcast_in_dim3A_276 : vector<1x2048xf32> to vector<512x2048xf32>
    %ge3A_279 = arith.cmpf oge, %dot_general3A_5, %ge3A : vector<512x2048xf32>
    %mul3A = vector.broadcast %div3A_278 : vector<1x2048xf32> to vector<512x2048xf32>
    %mul3A_280 = arith.mulf %exp3A, %mul3A : vector<512x2048xf32>
    %exp3A_281 = math.exp %mul3A_280 : vector<512x2048xf32>
    %jit3A_282 = arith.constant 0.000000e+00 : f32
    %broadcast_in_dim3A_283 = vector.broadcast %jit3A_282 : f32 to vector<512x2048xf32>
    %select_n3A_284 = arith.select %ge3A_279, %exp3A_281, %broadcast_in_dim3A_283 : vector<512x2048xi1>, vector<512x2048xf32>
    %mul3A_285 = arith.constant 0.000000e+00 : f32
    %mul3A_286 = vector.broadcast %mul3A_285 : f32 to vector<1x2048xf32>
    %mul3A_287 = arith.mulf %broadcast_in_dim3A_220, %mul3A_286 : vector<1x2048xf32>
    %exp3A_288 = math.exp %broadcast_in_dim3A_220 : vector<1x2048xf32>
    %mul3A_289 = arith.mulf %exp3A_288, %div3A_278 : vector<1x2048xf32>
    %exp3A_290 = math.exp %mul3A_289 : vector<1x2048xf32>
    %add3A = arith.addf %mul3A_287, %exp3A_290 : vector<1x2048xf32>
    %exp3A_291 = math.exp %broadcast_in_dim3A_228 : vector<1x2048xf32>
    %mul3A_292 = arith.mulf %exp3A_291, %div3A_278 : vector<1x2048xf32>
    %exp3A_293 = math.exp %mul3A_292 : vector<1x2048xf32>
    %add3A_294 = arith.addf %add3A, %exp3A_293 : vector<1x2048xf32>
    %exp3A_295 = math.exp %broadcast_in_dim3A_236 : vector<1x2048xf32>
    %mul3A_296 = arith.mulf %exp3A_295, %div3A_278 : vector<1x2048xf32>
    %exp3A_297 = math.exp %mul3A_296 : vector<1x2048xf32>
    %add3A_298 = arith.addf %add3A_294, %exp3A_297 : vector<1x2048xf32>
    %exp3A_299 = math.exp %broadcast_in_dim3A_244 : vector<1x2048xf32>
    %mul3A_300 = arith.mulf %exp3A_299, %div3A_278 : vector<1x2048xf32>
    %exp3A_301 = math.exp %mul3A_300 : vector<1x2048xf32>
    %add3A_302 = arith.addf %add3A_298, %exp3A_301 : vector<1x2048xf32>
    %exp3A_303 = math.exp %broadcast_in_dim3A_252 : vector<1x2048xf32>
    %mul3A_304 = arith.mulf %exp3A_303, %div3A_278 : vector<1x2048xf32>
    %exp3A_305 = math.exp %mul3A_304 : vector<1x2048xf32>
    %add3A_306 = arith.addf %add3A_302, %exp3A_305 : vector<1x2048xf32>
    %exp3A_307 = math.exp %broadcast_in_dim3A_260 : vector<1x2048xf32>
    %mul3A_308 = arith.mulf %exp3A_307, %div3A_278 : vector<1x2048xf32>
    %exp3A_309 = math.exp %mul3A_308 : vector<1x2048xf32>
    %add3A_310 = arith.addf %add3A_306, %exp3A_309 : vector<1x2048xf32>
    %exp3A_311 = math.exp %broadcast_in_dim3A_268 : vector<1x2048xf32>
    %mul3A_312 = arith.mulf %exp3A_311, %div3A_278 : vector<1x2048xf32>
    %exp3A_313 = math.exp %mul3A_312 : vector<1x2048xf32>
    %add3A_314 = arith.addf %add3A_310, %exp3A_313 : vector<1x2048xf32>
    %exp3A_315 = math.exp %broadcast_in_dim3A_276 : vector<1x2048xf32>
    %mul3A_316 = arith.mulf %exp3A_315, %div3A_278 : vector<1x2048xf32>
    %exp3A_317 = math.exp %mul3A_316 : vector<1x2048xf32>
    %add3A_318 = arith.addf %add3A_314, %exp3A_317 : vector<1x2048xf32>
    %dot_general3A_319 = arith.constant dense<0.000000e+00> : vector<96x2048xf32>
    %dot_general3A_320 = tpu.matmul %get3A_1, %select_n3A_284, %dot_general3A_319 {dimension_numbers = #tpu.dot_dimension_numbers<[0], [0], [1], [1], [0, 1, 1, 1], [], []>, transpose_lhs_hint = false} : vector<512x96xf32>, vector<512x2048xf32>, vector<96x2048xf32> -> vector<96x2048xf32>
    %div3A_321 = vector.broadcast %add3A_318 : vector<1x2048xf32> to vector<96x2048xf32>
    %div3A_322 = arith.divf %dot_general3A_320, %div3A_321 : vector<96x2048xf32>
    %swap3A = arith.constant 0 : index
    %swap3A_323 = arith.constant 0 : index
    %swap3A_324 = vector.load %arg4[%swap3A, %swap3A_323] : memref<96x2048xf32, #tpu.memory_space<vmem>>, vector<96x2048xf32>
    tpu.vector_store %arg4[%swap3A, %swap3A_323], %div3A_322 {strides = array<i32>} : memref<96x2048xf32, #tpu.memory_space<vmem>>, vector<96x2048xf32>,
    %get3A_325 = arith.constant 0 : index
    %get3A_326 = arith.constant 0 : index
    %get3A_327 = vector.load %arg3[%get3A_325, %get3A_326] : memref<96x2048xf32, #tpu.memory_space<vmem>>, vector<96x2048xf32>
    %dot_general3A_328 = arith.constant dense<0.000000e+00> : vector<512x2048xf32>
    %dot_general3A_329 = tpu.matmul %get3A_1, %get3A_327, %dot_general3A_328 {dimension_numbers = #tpu.dot_dimension_numbers<[1], [0], [0], [1], [0, 0, 1, 1], [], []>, transpose_lhs_hint = false} : vector<512x96xf32>, vector<96x2048xf32>, vector<512x2048xf32> -> vector<512x2048xf32>
    %exp3A_330 = math.exp %dot_general3A_329 : vector<512x2048xf32>
    %reduce_sum3A_331 = arith.constant dense<0.000000e+00> : vector<2048xf32>
    %reduce_sum3A_332 = vector.multi_reduction <add>, %exp3A_330, %reduce_sum3A_331 [0] : vector<512x2048xf32> to vector<2048xf32>
    %broadcast_in_dim3A_333 = vector.shape_cast %reduce_sum3A_332 : vector<2048xf32> to vector<1x2048xf32>
    %slice3A_334 = vector.extract_strided_slice %dot_general3A_329 {offsets = [0, 0], sizes = [256, 2048], strides = [1, 1]} : vector<512x2048xf32> to vector<256x2048xf32>
    %slice3A_335 = vector.extract_strided_slice %dot_general3A_329 {offsets = [256, 0], sizes = [256, 2048], strides = [1, 1]} : vector<512x2048xf32> to vector<256x2048xf32>
    %max3A_336 = arith.maximumf %slice3A_334, %slice3A_335 : vector<256x2048xf32>
    %slice3A_337 = vector.extract_strided_slice %dot_general3A_329 {offsets = [0, 0], sizes = [256, 2048], strides = [1, 1]} : vector<512x2048xf32> to vector<256x2048xf32>
    %slice3A_338 = vector.extract_strided_slice %dot_general3A_329 {offsets = [256, 0], sizes = [256, 2048], strides = [1, 1]} : vector<512x2048xf32> to vector<256x2048xf32>
    %min3A_339 = arith.minimumf %slice3A_337, %slice3A_338 : vector<256x2048xf32>
    %slice3A_340 = vector.extract_strided_slice %max3A_336 {offsets = [0, 0], sizes = [128, 2048], strides = [1, 1]} : vector<256x2048xf32> to vector<128x2048xf32>
    %slice3A_341 = vector.extract_strided_slice %max3A_336 {offsets = [128, 0], sizes = [128, 2048], strides = [1, 1]} : vector<256x2048xf32> to vector<128x2048xf32>
    %max3A_342 = arith.maximumf %slice3A_340, %slice3A_341 : vector<128x2048xf32>
    %slice3A_343 = vector.extract_strided_slice %max3A_336 {offsets = [0, 0], sizes = [128, 2048], strides = [1, 1]} : vector<256x2048xf32> to vector<128x2048xf32>
    %slice3A_344 = vector.extract_strided_slice %max3A_336 {offsets = [128, 0], sizes = [128, 2048], strides = [1, 1]} : vector<256x2048xf32> to vector<128x2048xf32>
    %min3A_345 = arith.minimumf %slice3A_343, %slice3A_344 : vector<128x2048xf32>
    %slice3A_346 = vector.extract_strided_slice %min3A_339 {offsets = [0, 0], sizes = [128, 2048], strides = [1, 1]} : vector<256x2048xf32> to vector<128x2048xf32>
    %slice3A_347 = vector.extract_strided_slice %min3A_339 {offsets = [128, 0], sizes = [128, 2048], strides = [1, 1]} : vector<256x2048xf32> to vector<128x2048xf32>
    %max3A_348 = arith.maximumf %slice3A_346, %slice3A_347 : vector<128x2048xf32>
    %slice3A_349 = vector.extract_strided_slice %min3A_339 {offsets = [0, 0], sizes = [128, 2048], strides = [1, 1]} : vector<256x2048xf32> to vector<128x2048xf32>
    %slice3A_350 = vector.extract_strided_slice %min3A_339 {offsets = [128, 0], sizes = [128, 2048], strides = [1, 1]} : vector<256x2048xf32> to vector<128x2048xf32>
    %min3A_351 = arith.minimumf %slice3A_349, %slice3A_350 : vector<128x2048xf32>
    %slice3A_352 = vector.extract_strided_slice %max3A_342 {offsets = [0, 0], sizes = [64, 2048], strides = [1, 1]} : vector<128x2048xf32> to vector<64x2048xf32>
    %slice3A_353 = vector.extract_strided_slice %max3A_342 {offsets = [64, 0], sizes = [64, 2048], strides = [1, 1]} : vector<128x2048xf32> to vector<64x2048xf32>
    %max3A_354 = arith.maximumf %slice3A_352, %slice3A_353 : vector<64x2048xf32>
    %slice3A_355 = vector.extract_strided_slice %max3A_342 {offsets = [0, 0], sizes = [64, 2048], strides = [1, 1]} : vector<128x2048xf32> to vector<64x2048xf32>
    %slice3A_356 = vector.extract_strided_slice %max3A_342 {offsets = [64, 0], sizes = [64, 2048], strides = [1, 1]} : vector<128x2048xf32> to vector<64x2048xf32>
    %min3A_357 = arith.minimumf %slice3A_355, %slice3A_356 : vector<64x2048xf32>
    %reduce_max3A_358 = arith.constant dense<0xFF800000> : vector<2048xf32>
    %reduce_max3A_359 = vector.multi_reduction <maximumf>, %max3A_354, %reduce_max3A_358 [0] : vector<64x2048xf32> to vector<2048xf32>
    %broadcast_in_dim3A_360 = vector.shape_cast %reduce_max3A_359 : vector<2048xf32> to vector<1x2048xf32>
    %eq3A_361 = vector.broadcast %broadcast_in_dim3A_360 : vector<1x2048xf32> to vector<64x2048xf32>
    %eq3A_362 = arith.cmpf oeq, %max3A_354, %eq3A_361 : vector<64x2048xf32>
    %jit3A_363 = arith.constant -3.000000e+38 : f32
    %broadcast_in_dim3A_364 = vector.broadcast %jit3A_363 : f32 to vector<64x2048xf32>
    %select_n3A_365 = arith.select %eq3A_362, %broadcast_in_dim3A_364, %max3A_354 : vector<64x2048xi1>, vector<64x2048xf32>
    %reduce_max3A_366 = arith.constant dense<0xFF800000> : vector<2048xf32>
    %reduce_max3A_367 = vector.multi_reduction <maximumf>, %select_n3A_365, %reduce_max3A_366 [0] : vector<64x2048xf32> to vector<2048xf32>
    %broadcast_in_dim3A_368 = vector.shape_cast %reduce_max3A_367 : vector<2048xf32> to vector<1x2048xf32>
    %eq3A_369 = vector.broadcast %broadcast_in_dim3A_368 : vector<1x2048xf32> to vector<64x2048xf32>
    %eq3A_370 = arith.cmpf oeq, %select_n3A_365, %eq3A_369 : vector<64x2048xf32>
    %jit3A_371 = arith.constant -3.000000e+38 : f32
    %broadcast_in_dim3A_372 = vector.broadcast %jit3A_371 : f32 to vector<64x2048xf32>
    %select_n3A_373 = arith.select %eq3A_370, %broadcast_in_dim3A_372, %select_n3A_365 : vector<64x2048xi1>, vector<64x2048xf32>
    %reduce_max3A_374 = arith.constant dense<0xFF800000> : vector<2048xf32>
    %reduce_max3A_375 = vector.multi_reduction <maximumf>, %select_n3A_373, %reduce_max3A_374 [0] : vector<64x2048xf32> to vector<2048xf32>
    %broadcast_in_dim3A_376 = vector.shape_cast %reduce_max3A_375 : vector<2048xf32> to vector<1x2048xf32>
    %eq3A_377 = vector.broadcast %broadcast_in_dim3A_376 : vector<1x2048xf32> to vector<64x2048xf32>
    %eq3A_378 = arith.cmpf oeq, %select_n3A_373, %eq3A_377 : vector<64x2048xf32>
    %jit3A_379 = arith.constant -3.000000e+38 : f32
    %broadcast_in_dim3A_380 = vector.broadcast %jit3A_379 : f32 to vector<64x2048xf32>
    %select_n3A_381 = arith.select %eq3A_378, %broadcast_in_dim3A_380, %select_n3A_373 : vector<64x2048xi1>, vector<64x2048xf32>
    %reduce_max3A_382 = arith.constant dense<0xFF800000> : vector<2048xf32>
    %reduce_max3A_383 = vector.multi_reduction <maximumf>, %select_n3A_381, %reduce_max3A_382 [0] : vector<64x2048xf32> to vector<2048xf32>
    %broadcast_in_dim3A_384 = vector.shape_cast %reduce_max3A_383 : vector<2048xf32> to vector<1x2048xf32>
    %eq3A_385 = vector.broadcast %broadcast_in_dim3A_384 : vector<1x2048xf32> to vector<64x2048xf32>
    %eq3A_386 = arith.cmpf oeq, %select_n3A_381, %eq3A_385 : vector<64x2048xf32>
    %jit3A_387 = arith.constant -3.000000e+38 : f32
    %broadcast_in_dim3A_388 = vector.broadcast %jit3A_387 : f32 to vector<64x2048xf32>
    %select_n3A_389 = arith.select %eq3A_386, %broadcast_in_dim3A_388, %select_n3A_381 : vector<64x2048xi1>, vector<64x2048xf32>
    %reduce_max3A_390 = arith.constant dense<0xFF800000> : vector<2048xf32>
    %reduce_max3A_391 = vector.multi_reduction <maximumf>, %select_n3A_389, %reduce_max3A_390 [0] : vector<64x2048xf32> to vector<2048xf32>
    %broadcast_in_dim3A_392 = vector.shape_cast %reduce_max3A_391 : vector<2048xf32> to vector<1x2048xf32>
    %eq3A_393 = vector.broadcast %broadcast_in_dim3A_392 : vector<1x2048xf32> to vector<64x2048xf32>
    %eq3A_394 = arith.cmpf oeq, %select_n3A_389, %eq3A_393 : vector<64x2048xf32>
    %jit3A_395 = arith.constant -3.000000e+38 : f32
    %broadcast_in_dim3A_396 = vector.broadcast %jit3A_395 : f32 to vector<64x2048xf32>
    %select_n3A_397 = arith.select %eq3A_394, %broadcast_in_dim3A_396, %select_n3A_389 : vector<64x2048xi1>, vector<64x2048xf32>
    %reduce_max3A_398 = arith.constant dense<0xFF800000> : vector<2048xf32>
    %reduce_max3A_399 = vector.multi_reduction <maximumf>, %select_n3A_397, %reduce_max3A_398 [0] : vector<64x2048xf32> to vector<2048xf32>
    %broadcast_in_dim3A_400 = vector.shape_cast %reduce_max3A_399 : vector<2048xf32> to vector<1x2048xf32>
    %eq3A_401 = vector.broadcast %broadcast_in_dim3A_400 : vector<1x2048xf32> to vector<64x2048xf32>
    %eq3A_402 = arith.cmpf oeq, %select_n3A_397, %eq3A_401 : vector<64x2048xf32>
    %jit3A_403 = arith.constant -3.000000e+38 : f32
    %broadcast_in_dim3A_404 = vector.broadcast %jit3A_403 : f32 to vector<64x2048xf32>
    %select_n3A_405 = arith.select %eq3A_402, %broadcast_in_dim3A_404, %select_n3A_397 : vector<64x2048xi1>, vector<64x2048xf32>
    %reduce_max3A_406 = arith.constant dense<0xFF800000> : vector<2048xf32>
    %reduce_max3A_407 = vector.multi_reduction <maximumf>, %select_n3A_405, %reduce_max3A_406 [0] : vector<64x2048xf32> to vector<2048xf32>
    %broadcast_in_dim3A_408 = vector.shape_cast %reduce_max3A_407 : vector<2048xf32> to vector<1x2048xf32>
    %eq3A_409 = vector.broadcast %broadcast_in_dim3A_408 : vector<1x2048xf32> to vector<64x2048xf32>
    %eq3A_410 = arith.cmpf oeq, %select_n3A_405, %eq3A_409 : vector<64x2048xf32>
    %jit3A_411 = arith.constant -3.000000e+38 : f32
    %broadcast_in_dim3A_412 = vector.broadcast %jit3A_411 : f32 to vector<64x2048xf32>
    %select_n3A_413 = arith.select %eq3A_410, %broadcast_in_dim3A_412, %select_n3A_405 : vector<64x2048xi1>, vector<64x2048xf32>
    %reduce_max3A_414 = arith.constant dense<0xFF800000> : vector<2048xf32>
    %reduce_max3A_415 = vector.multi_reduction <maximumf>, %select_n3A_413, %reduce_max3A_414 [0] : vector<64x2048xf32> to vector<2048xf32>
    %broadcast_in_dim3A_416 = vector.shape_cast %reduce_max3A_415 : vector<2048xf32> to vector<1x2048xf32>
    %reduce_max3A_417 = arith.constant dense<0xFF800000> : vector<2048xf32>
    %reduce_max3A_418 = vector.multi_reduction <maximumf>, %min3A_357, %reduce_max3A_417 [0] : vector<64x2048xf32> to vector<2048xf32>
    %broadcast_in_dim3A_419 = vector.shape_cast %reduce_max3A_418 : vector<2048xf32> to vector<1x2048xf32>
    %eq3A_420 = vector.broadcast %broadcast_in_dim3A_419 : vector<1x2048xf32> to vector<64x2048xf32>
    %eq3A_421 = arith.cmpf oeq, %min3A_357, %eq3A_420 : vector<64x2048xf32>
    %jit3A_422 = arith.constant -3.000000e+38 : f32
    %broadcast_in_dim3A_423 = vector.broadcast %jit3A_422 : f32 to vector<64x2048xf32>
    %select_n3A_424 = arith.select %eq3A_421, %broadcast_in_dim3A_423, %min3A_357 : vector<64x2048xi1>, vector<64x2048xf32>
    %reduce_max3A_425 = arith.constant dense<0xFF800000> : vector<2048xf32>
    %reduce_max3A_426 = vector.multi_reduction <maximumf>, %select_n3A_424, %reduce_max3A_425 [0] : vector<64x2048xf32> to vector<2048xf32>
    %broadcast_in_dim3A_427 = vector.shape_cast %reduce_max3A_426 : vector<2048xf32> to vector<1x2048xf32>
    %eq3A_428 = vector.broadcast %broadcast_in_dim3A_427 : vector<1x2048xf32> to vector<64x2048xf32>
    %eq3A_429 = arith.cmpf oeq, %select_n3A_424, %eq3A_428 : vector<64x2048xf32>
    %jit3A_430 = arith.constant -3.000000e+38 : f32
    %broadcast_in_dim3A_431 = vector.broadcast %jit3A_430 : f32 to vector<64x2048xf32>
    %select_n3A_432 = arith.select %eq3A_429, %broadcast_in_dim3A_431, %select_n3A_424 : vector<64x2048xi1>, vector<64x2048xf32>
    %reduce_max3A_433 = arith.constant dense<0xFF800000> : vector<2048xf32>
    %reduce_max3A_434 = vector.multi_reduction <maximumf>, %select_n3A_432, %reduce_max3A_433 [0] : vector<64x2048xf32> to vector<2048xf32>
    %broadcast_in_dim3A_435 = vector.shape_cast %reduce_max3A_434 : vector<2048xf32> to vector<1x2048xf32>
    %eq3A_436 = vector.broadcast %broadcast_in_dim3A_435 : vector<1x2048xf32> to vector<64x2048xf32>
    %eq3A_437 = arith.cmpf oeq, %select_n3A_432, %eq3A_436 : vector<64x2048xf32>
    %jit3A_438 = arith.constant -3.000000e+38 : f32
    %broadcast_in_dim3A_439 = vector.broadcast %jit3A_438 : f32 to vector<64x2048xf32>
    %select_n3A_440 = arith.select %eq3A_437, %broadcast_in_dim3A_439, %select_n3A_432 : vector<64x2048xi1>, vector<64x2048xf32>
    %reduce_max3A_441 = arith.constant dense<0xFF800000> : vector<2048xf32>
    %reduce_max3A_442 = vector.multi_reduction <maximumf>, %select_n3A_440, %reduce_max3A_441 [0] : vector<64x2048xf32> to vector<2048xf32>
    %broadcast_in_dim3A_443 = vector.shape_cast %reduce_max3A_442 : vector<2048xf32> to vector<1x2048xf32>
    %slice3A_444 = vector.extract_strided_slice %min3A_345 {offsets = [0, 0], sizes = [64, 2048], strides = [1, 1]} : vector<128x2048xf32> to vector<64x2048xf32>
    %slice3A_445 = vector.extract_strided_slice %min3A_345 {offsets = [64, 0], sizes = [64, 2048], strides = [1, 1]} : vector<128x2048xf32> to vector<64x2048xf32>
    %max3A_446 = arith.maximumf %slice3A_444, %slice3A_445 : vector<64x2048xf32>
    %slice3A_447 = vector.extract_strided_slice %min3A_345 {offsets = [0, 0], sizes = [64, 2048], strides = [1, 1]} : vector<128x2048xf32> to vector<64x2048xf32>
    %slice3A_448 = vector.extract_strided_slice %min3A_345 {offsets = [64, 0], sizes = [64, 2048], strides = [1, 1]} : vector<128x2048xf32> to vector<64x2048xf32>
    %min3A_449 = arith.minimumf %slice3A_447, %slice3A_448 : vector<64x2048xf32>
    %reduce_max3A_450 = arith.constant dense<0xFF800000> : vector<2048xf32>
    %reduce_max3A_451 = vector.multi_reduction <maximumf>, %max3A_446, %reduce_max3A_450 [0] : vector<64x2048xf32> to vector<2048xf32>
    %broadcast_in_dim3A_452 = vector.shape_cast %reduce_max3A_451 : vector<2048xf32> to vector<1x2048xf32>
    %eq3A_453 = vector.broadcast %broadcast_in_dim3A_452 : vector<1x2048xf32> to vector<64x2048xf32>
    %eq3A_454 = arith.cmpf oeq, %max3A_446, %eq3A_453 : vector<64x2048xf32>
    %jit3A_455 = arith.constant -3.000000e+38 : f32
    %broadcast_in_dim3A_456 = vector.broadcast %jit3A_455 : f32 to vector<64x2048xf32>
    %select_n3A_457 = arith.select %eq3A_454, %broadcast_in_dim3A_456, %max3A_446 : vector<64x2048xi1>, vector<64x2048xf32>
    %reduce_max3A_458 = arith.constant dense<0xFF800000> : vector<2048xf32>
    %reduce_max3A_459 = vector.multi_reduction <maximumf>, %select_n3A_457, %reduce_max3A_458 [0] : vector<64x2048xf32> to vector<2048xf32>
    %broadcast_in_dim3A_460 = vector.shape_cast %reduce_max3A_459 : vector<2048xf32> to vector<1x2048xf32>
    %eq3A_461 = vector.broadcast %broadcast_in_dim3A_460 : vector<1x2048xf32> to vector<64x2048xf32>
    %eq3A_462 = arith.cmpf oeq, %select_n3A_457, %eq3A_461 : vector<64x2048xf32>
    %jit3A_463 = arith.constant -3.000000e+38 : f32
    %broadcast_in_dim3A_464 = vector.broadcast %jit3A_463 : f32 to vector<64x2048xf32>
    %select_n3A_465 = arith.select %eq3A_462, %broadcast_in_dim3A_464, %select_n3A_457 : vector<64x2048xi1>, vector<64x2048xf32>
    %reduce_max3A_466 = arith.constant dense<0xFF800000> : vector<2048xf32>
    %reduce_max3A_467 = vector.multi_reduction <maximumf>, %select_n3A_465, %reduce_max3A_466 [0] : vector<64x2048xf32> to vector<2048xf32>
    %broadcast_in_dim3A_468 = vector.shape_cast %reduce_max3A_467 : vector<2048xf32> to vector<1x2048xf32>
    %eq3A_469 = vector.broadcast %broadcast_in_dim3A_468 : vector<1x2048xf32> to vector<64x2048xf32>
    %eq3A_470 = arith.cmpf oeq, %select_n3A_465, %eq3A_469 : vector<64x2048xf32>
    %jit3A_471 = arith.constant -3.000000e+38 : f32
    %broadcast_in_dim3A_472 = vector.broadcast %jit3A_471 : f32 to vector<64x2048xf32>
    %select_n3A_473 = arith.select %eq3A_470, %broadcast_in_dim3A_472, %select_n3A_465 : vector<64x2048xi1>, vector<64x2048xf32>
    %reduce_max3A_474 = arith.constant dense<0xFF800000> : vector<2048xf32>
    %reduce_max3A_475 = vector.multi_reduction <maximumf>, %select_n3A_473, %reduce_max3A_474 [0] : vector<64x2048xf32> to vector<2048xf32>
    %broadcast_in_dim3A_476 = vector.shape_cast %reduce_max3A_475 : vector<2048xf32> to vector<1x2048xf32>
    %reduce_max3A_477 = arith.constant dense<0xFF800000> : vector<2048xf32>
    %reduce_max3A_478 = vector.multi_reduction <maximumf>, %min3A_449, %reduce_max3A_477 [0] : vector<64x2048xf32> to vector<2048xf32>
    %broadcast_in_dim3A_479 = vector.shape_cast %reduce_max3A_478 : vector<2048xf32> to vector<1x2048xf32>
    %eq3A_480 = vector.broadcast %broadcast_in_dim3A_479 : vector<1x2048xf32> to vector<64x2048xf32>
    %eq3A_481 = arith.cmpf oeq, %min3A_449, %eq3A_480 : vector<64x2048xf32>
    %jit3A_482 = arith.constant -3.000000e+38 : f32
    %broadcast_in_dim3A_483 = vector.broadcast %jit3A_482 : f32 to vector<64x2048xf32>
    %select_n3A_484 = arith.select %eq3A_481, %broadcast_in_dim3A_483, %min3A_449 : vector<64x2048xi1>, vector<64x2048xf32>
    %reduce_max3A_485 = arith.constant dense<0xFF800000> : vector<2048xf32>
    %reduce_max3A_486 = vector.multi_reduction <maximumf>, %select_n3A_484, %reduce_max3A_485 [0] : vector<64x2048xf32> to vector<2048xf32>
    %broadcast_in_dim3A_487 = vector.shape_cast %reduce_max3A_486 : vector<2048xf32> to vector<1x2048xf32>
    %slice3A_488 = vector.extract_strided_slice %max3A_348 {offsets = [0, 0], sizes = [64, 2048], strides = [1, 1]} : vector<128x2048xf32> to vector<64x2048xf32>
    %slice3A_489 = vector.extract_strided_slice %max3A_348 {offsets = [64, 0], sizes = [64, 2048], strides = [1, 1]} : vector<128x2048xf32> to vector<64x2048xf32>
    %max3A_490 = arith.maximumf %slice3A_488, %slice3A_489 : vector<64x2048xf32>
    %slice3A_491 = vector.extract_strided_slice %max3A_348 {offsets = [0, 0], sizes = [64, 2048], strides = [1, 1]} : vector<128x2048xf32> to vector<64x2048xf32>
    %slice3A_492 = vector.extract_strided_slice %max3A_348 {offsets = [64, 0], sizes = [64, 2048], strides = [1, 1]} : vector<128x2048xf32> to vector<64x2048xf32>
    %min3A_493 = arith.minimumf %slice3A_491, %slice3A_492 : vector<64x2048xf32>
    %reduce_max3A_494 = arith.constant dense<0xFF800000> : vector<2048xf32>
    %reduce_max3A_495 = vector.multi_reduction <maximumf>, %max3A_490, %reduce_max3A_494 [0] : vector<64x2048xf32> to vector<2048xf32>
    %broadcast_in_dim3A_496 = vector.shape_cast %reduce_max3A_495 : vector<2048xf32> to vector<1x2048xf32>
    %eq3A_497 = vector.broadcast %broadcast_in_dim3A_496 : vector<1x2048xf32> to vector<64x2048xf32>
    %eq3A_498 = arith.cmpf oeq, %max3A_490, %eq3A_497 : vector<64x2048xf32>
    %jit3A_499 = arith.constant -3.000000e+38 : f32
    %broadcast_in_dim3A_500 = vector.broadcast %jit3A_499 : f32 to vector<64x2048xf32>
    %select_n3A_501 = arith.select %eq3A_498, %broadcast_in_dim3A_500, %max3A_490 : vector<64x2048xi1>, vector<64x2048xf32>
    %reduce_max3A_502 = arith.constant dense<0xFF800000> : vector<2048xf32>
    %reduce_max3A_503 = vector.multi_reduction <maximumf>, %select_n3A_501, %reduce_max3A_502 [0] : vector<64x2048xf32> to vector<2048xf32>
    %broadcast_in_dim3A_504 = vector.shape_cast %reduce_max3A_503 : vector<2048xf32> to vector<1x2048xf32>
    %eq3A_505 = vector.broadcast %broadcast_in_dim3A_504 : vector<1x2048xf32> to vector<64x2048xf32>
    %eq3A_506 = arith.cmpf oeq, %select_n3A_501, %eq3A_505 : vector<64x2048xf32>
    %jit3A_507 = arith.constant -3.000000e+38 : f32
    %broadcast_in_dim3A_508 = vector.broadcast %jit3A_507 : f32 to vector<64x2048xf32>
    %select_n3A_509 = arith.select %eq3A_506, %broadcast_in_dim3A_508, %select_n3A_501 : vector<64x2048xi1>, vector<64x2048xf32>
    %reduce_max3A_510 = arith.constant dense<0xFF800000> : vector<2048xf32>
    %reduce_max3A_511 = vector.multi_reduction <maximumf>, %select_n3A_509, %reduce_max3A_510 [0] : vector<64x2048xf32> to vector<2048xf32>
    %broadcast_in_dim3A_512 = vector.shape_cast %reduce_max3A_511 : vector<2048xf32> to vector<1x2048xf32>
    %eq3A_513 = vector.broadcast %broadcast_in_dim3A_512 : vector<1x2048xf32> to vector<64x2048xf32>
    %eq3A_514 = arith.cmpf oeq, %select_n3A_509, %eq3A_513 : vector<64x2048xf32>
    %jit3A_515 = arith.constant -3.000000e+38 : f32
    %broadcast_in_dim3A_516 = vector.broadcast %jit3A_515 : f32 to vector<64x2048xf32>
    %select_n3A_517 = arith.select %eq3A_514, %broadcast_in_dim3A_516, %select_n3A_509 : vector<64x2048xi1>, vector<64x2048xf32>
    %reduce_max3A_518 = arith.constant dense<0xFF800000> : vector<2048xf32>
    %reduce_max3A_519 = vector.multi_reduction <maximumf>, %select_n3A_517, %reduce_max3A_518 [0] : vector<64x2048xf32> to vector<2048xf32>
    %broadcast_in_dim3A_520 = vector.shape_cast %reduce_max3A_519 : vector<2048xf32> to vector<1x2048xf32>
    %reduce_max3A_521 = arith.constant dense<0xFF800000> : vector<2048xf32>
    %reduce_max3A_522 = vector.multi_reduction <maximumf>, %min3A_493, %reduce_max3A_521 [0] : vector<64x2048xf32> to vector<2048xf32>
    %broadcast_in_dim3A_523 = vector.shape_cast %reduce_max3A_522 : vector<2048xf32> to vector<1x2048xf32>
    %eq3A_524 = vector.broadcast %broadcast_in_dim3A_523 : vector<1x2048xf32> to vector<64x2048xf32>
    %eq3A_525 = arith.cmpf oeq, %min3A_493, %eq3A_524 : vector<64x2048xf32>
    %jit3A_526 = arith.constant -3.000000e+38 : f32
    %broadcast_in_dim3A_527 = vector.broadcast %jit3A_526 : f32 to vector<64x2048xf32>
    %select_n3A_528 = arith.select %eq3A_525, %broadcast_in_dim3A_527, %min3A_493 : vector<64x2048xi1>, vector<64x2048xf32>
    %reduce_max3A_529 = arith.constant dense<0xFF800000> : vector<2048xf32>
    %reduce_max3A_530 = vector.multi_reduction <maximumf>, %select_n3A_528, %reduce_max3A_529 [0] : vector<64x2048xf32> to vector<2048xf32>
    %broadcast_in_dim3A_531 = vector.shape_cast %reduce_max3A_530 : vector<2048xf32> to vector<1x2048xf32>
    %slice3A_532 = vector.extract_strided_slice %min3A_351 {offsets = [0, 0], sizes = [64, 2048], strides = [1, 1]} : vector<128x2048xf32> to vector<64x2048xf32>
    %slice3A_533 = vector.extract_strided_slice %min3A_351 {offsets = [64, 0], sizes = [64, 2048], strides = [1, 1]} : vector<128x2048xf32> to vector<64x2048xf32>
    %max3A_534 = arith.maximumf %slice3A_532, %slice3A_533 : vector<64x2048xf32>
    %slice3A_535 = vector.extract_strided_slice %min3A_351 {offsets = [0, 0], sizes = [64, 2048], strides = [1, 1]} : vector<128x2048xf32> to vector<64x2048xf32>
    %slice3A_536 = vector.extract_strided_slice %min3A_351 {offsets = [64, 0], sizes = [64, 2048], strides = [1, 1]} : vector<128x2048xf32> to vector<64x2048xf32>
    %min3A_537 = arith.minimumf %slice3A_535, %slice3A_536 : vector<64x2048xf32>
    %reduce_max3A_538 = arith.constant dense<0xFF800000> : vector<2048xf32>
    %reduce_max3A_539 = vector.multi_reduction <maximumf>, %max3A_534, %reduce_max3A_538 [0] : vector<64x2048xf32> to vector<2048xf32>
    %broadcast_in_dim3A_540 = vector.shape_cast %reduce_max3A_539 : vector<2048xf32> to vector<1x2048xf32>
    %eq3A_541 = vector.broadcast %broadcast_in_dim3A_540 : vector<1x2048xf32> to vector<64x2048xf32>
    %eq3A_542 = arith.cmpf oeq, %max3A_534, %eq3A_541 : vector<64x2048xf32>
    %jit3A_543 = arith.constant -3.000000e+38 : f32
    %broadcast_in_dim3A_544 = vector.broadcast %jit3A_543 : f32 to vector<64x2048xf32>
    %select_n3A_545 = arith.select %eq3A_542, %broadcast_in_dim3A_544, %max3A_534 : vector<64x2048xi1>, vector<64x2048xf32>
    %reduce_max3A_546 = arith.constant dense<0xFF800000> : vector<2048xf32>
    %reduce_max3A_547 = vector.multi_reduction <maximumf>, %select_n3A_545, %reduce_max3A_546 [0] : vector<64x2048xf32> to vector<2048xf32>
    %broadcast_in_dim3A_548 = vector.shape_cast %reduce_max3A_547 : vector<2048xf32> to vector<1x2048xf32>
    %reduce_max3A_549 = arith.constant dense<0xFF800000> : vector<2048xf32>
    %reduce_max3A_550 = vector.multi_reduction <maximumf>, %min3A_537, %reduce_max3A_549 [0] : vector<64x2048xf32> to vector<2048xf32>
    %broadcast_in_dim3A_551 = vector.shape_cast %reduce_max3A_550 : vector<2048xf32> to vector<1x2048xf32>
    %concatenate3A_552 = tpu.concatenate %broadcast_in_dim3A_360, %broadcast_in_dim3A_368, %broadcast_in_dim3A_376, %broadcast_in_dim3A_384, %broadcast_in_dim3A_392, %broadcast_in_dim3A_400, %broadcast_in_dim3A_408, %broadcast_in_dim3A_416, %broadcast_in_dim3A_419, %broadcast_in_dim3A_427, %broadcast_in_dim3A_435, %broadcast_in_dim3A_443, %broadcast_in_dim3A_452, %broadcast_in_dim3A_460, %broadcast_in_dim3A_468, %broadcast_in_dim3A_476, %broadcast_in_dim3A_479, %broadcast_in_dim3A_487, %broadcast_in_dim3A_496, %broadcast_in_dim3A_504, %broadcast_in_dim3A_512, %broadcast_in_dim3A_520, %broadcast_in_dim3A_523, %broadcast_in_dim3A_531, %broadcast_in_dim3A_540, %broadcast_in_dim3A_548, %broadcast_in_dim3A_551 in 0 : vector<1x2048xf32>, vector<1x2048xf32>, vector<1x2048xf32>, vector<1x2048xf32>, vector<1x2048xf32>, vector<1x2048xf32>, vector<1x2048xf32>, vector<1x2048xf32>, vector<1x2048xf32>, vector<1x2048xf32>, vector<1x2048xf32>, vector<1x2048xf32>, vector<1x2048xf32>, vector<1x2048xf32>, vector<1x2048xf32>, vector<1x2048xf32>, vector<1x2048xf32>, vector<1x2048xf32>, vector<1x2048xf32>, vector<1x2048xf32>, vector<1x2048xf32>, vector<1x2048xf32>, vector<1x2048xf32>, vector<1x2048xf32>, vector<1x2048xf32>, vector<1x2048xf32>, vector<1x2048xf32> -> vector<27x2048xf32>
    %reduce_max3A_553 = arith.constant dense<0xFF800000> : vector<2048xf32>
    %reduce_max3A_554 = vector.multi_reduction <maximumf>, %concatenate3A_552, %reduce_max3A_553 [0] : vector<27x2048xf32> to vector<2048xf32>
    %broadcast_in_dim3A_555 = vector.shape_cast %reduce_max3A_554 : vector<2048xf32> to vector<1x2048xf32>
    %eq3A_556 = vector.broadcast %broadcast_in_dim3A_555 : vector<1x2048xf32> to vector<27x2048xf32>
    %eq3A_557 = arith.cmpf oeq, %concatenate3A_552, %eq3A_556 : vector<27x2048xf32>
    %jit3A_558 = arith.constant -3.000000e+38 : f32
    %broadcast_in_dim3A_559 = vector.broadcast %jit3A_558 : f32 to vector<27x2048xf32>
    %select_n3A_560 = arith.select %eq3A_557, %broadcast_in_dim3A_559, %concatenate3A_552 : vector<27x2048xi1>, vector<27x2048xf32>
    %reduce_max3A_561 = arith.constant dense<0xFF800000> : vector<2048xf32>
    %reduce_max3A_562 = vector.multi_reduction <maximumf>, %select_n3A_560, %reduce_max3A_561 [0] : vector<27x2048xf32> to vector<2048xf32>
    %broadcast_in_dim3A_563 = vector.shape_cast %reduce_max3A_562 : vector<2048xf32> to vector<1x2048xf32>
    %eq3A_564 = vector.broadcast %broadcast_in_dim3A_563 : vector<1x2048xf32> to vector<27x2048xf32>
    %eq3A_565 = arith.cmpf oeq, %select_n3A_560, %eq3A_564 : vector<27x2048xf32>
    %jit3A_566 = arith.constant -3.000000e+38 : f32
    %broadcast_in_dim3A_567 = vector.broadcast %jit3A_566 : f32 to vector<27x2048xf32>
    %select_n3A_568 = arith.select %eq3A_565, %broadcast_in_dim3A_567, %select_n3A_560 : vector<27x2048xi1>, vector<27x2048xf32>
    %reduce_max3A_569 = arith.constant dense<0xFF800000> : vector<2048xf32>
    %reduce_max3A_570 = vector.multi_reduction <maximumf>, %select_n3A_568, %reduce_max3A_569 [0] : vector<27x2048xf32> to vector<2048xf32>
    %broadcast_in_dim3A_571 = vector.shape_cast %reduce_max3A_570 : vector<2048xf32> to vector<1x2048xf32>
    %eq3A_572 = vector.broadcast %broadcast_in_dim3A_571 : vector<1x2048xf32> to vector<27x2048xf32>
    %eq3A_573 = arith.cmpf oeq, %select_n3A_568, %eq3A_572 : vector<27x2048xf32>
    %jit3A_574 = arith.constant -3.000000e+38 : f32
    %broadcast_in_dim3A_575 = vector.broadcast %jit3A_574 : f32 to vector<27x2048xf32>
    %select_n3A_576 = arith.select %eq3A_573, %broadcast_in_dim3A_575, %select_n3A_568 : vector<27x2048xi1>, vector<27x2048xf32>
    %reduce_max3A_577 = arith.constant dense<0xFF800000> : vector<2048xf32>
    %reduce_max3A_578 = vector.multi_reduction <maximumf>, %select_n3A_576, %reduce_max3A_577 [0] : vector<27x2048xf32> to vector<2048xf32>
    %broadcast_in_dim3A_579 = vector.shape_cast %reduce_max3A_578 : vector<2048xf32> to vector<1x2048xf32>
    %eq3A_580 = vector.broadcast %broadcast_in_dim3A_579 : vector<1x2048xf32> to vector<27x2048xf32>
    %eq3A_581 = arith.cmpf oeq, %select_n3A_576, %eq3A_580 : vector<27x2048xf32>
    %jit3A_582 = arith.constant -3.000000e+38 : f32
    %broadcast_in_dim3A_583 = vector.broadcast %jit3A_582 : f32 to vector<27x2048xf32>
    %select_n3A_584 = arith.select %eq3A_581, %broadcast_in_dim3A_583, %select_n3A_576 : vector<27x2048xi1>, vector<27x2048xf32>
    %reduce_max3A_585 = arith.constant dense<0xFF800000> : vector<2048xf32>
    %reduce_max3A_586 = vector.multi_reduction <maximumf>, %select_n3A_584, %reduce_max3A_585 [0] : vector<27x2048xf32> to vector<2048xf32>
    %broadcast_in_dim3A_587 = vector.shape_cast %reduce_max3A_586 : vector<2048xf32> to vector<1x2048xf32>
    %eq3A_588 = vector.broadcast %broadcast_in_dim3A_587 : vector<1x2048xf32> to vector<27x2048xf32>
    %eq3A_589 = arith.cmpf oeq, %select_n3A_584, %eq3A_588 : vector<27x2048xf32>
    %jit3A_590 = arith.constant -3.000000e+38 : f32
    %broadcast_in_dim3A_591 = vector.broadcast %jit3A_590 : f32 to vector<27x2048xf32>
    %select_n3A_592 = arith.select %eq3A_589, %broadcast_in_dim3A_591, %select_n3A_584 : vector<27x2048xi1>, vector<27x2048xf32>
    %reduce_max3A_593 = arith.constant dense<0xFF800000> : vector<2048xf32>
    %reduce_max3A_594 = vector.multi_reduction <maximumf>, %select_n3A_592, %reduce_max3A_593 [0] : vector<27x2048xf32> to vector<2048xf32>
    %broadcast_in_dim3A_595 = vector.shape_cast %reduce_max3A_594 : vector<2048xf32> to vector<1x2048xf32>
    %eq3A_596 = vector.broadcast %broadcast_in_dim3A_595 : vector<1x2048xf32> to vector<27x2048xf32>
    %eq3A_597 = arith.cmpf oeq, %select_n3A_592, %eq3A_596 : vector<27x2048xf32>
    %jit3A_598 = arith.constant -3.000000e+38 : f32
    %broadcast_in_dim3A_599 = vector.broadcast %jit3A_598 : f32 to vector<27x2048xf32>
    %select_n3A_600 = arith.select %eq3A_597, %broadcast_in_dim3A_599, %select_n3A_592 : vector<27x2048xi1>, vector<27x2048xf32>
    %reduce_max3A_601 = arith.constant dense<0xFF800000> : vector<2048xf32>
    %reduce_max3A_602 = vector.multi_reduction <maximumf>, %select_n3A_600, %reduce_max3A_601 [0] : vector<27x2048xf32> to vector<2048xf32>
    %broadcast_in_dim3A_603 = vector.shape_cast %reduce_max3A_602 : vector<2048xf32> to vector<1x2048xf32>
    %eq3A_604 = vector.broadcast %broadcast_in_dim3A_603 : vector<1x2048xf32> to vector<27x2048xf32>
    %eq3A_605 = arith.cmpf oeq, %select_n3A_600, %eq3A_604 : vector<27x2048xf32>
    %jit3A_606 = arith.constant -3.000000e+38 : f32
    %broadcast_in_dim3A_607 = vector.broadcast %jit3A_606 : f32 to vector<27x2048xf32>
    %select_n3A_608 = arith.select %eq3A_605, %broadcast_in_dim3A_607, %select_n3A_600 : vector<27x2048xi1>, vector<27x2048xf32>
    %reduce_max3A_609 = arith.constant dense<0xFF800000> : vector<2048xf32>
    %reduce_max3A_610 = vector.multi_reduction <maximumf>, %select_n3A_608, %reduce_max3A_609 [0] : vector<27x2048xf32> to vector<2048xf32>
    %broadcast_in_dim3A_611 = vector.shape_cast %reduce_max3A_610 : vector<2048xf32> to vector<1x2048xf32>
    %div3A_612 = arith.constant 1.000000e+00 : f32
    %div3A_613 = vector.broadcast %div3A_612 : f32 to vector<1x2048xf32>
    %div3A_614 = arith.divf %div3A_613, %broadcast_in_dim3A_333 : vector<1x2048xf32>
    %ge3A_615 = vector.broadcast %broadcast_in_dim3A_611 : vector<1x2048xf32> to vector<512x2048xf32>
    %ge3A_616 = arith.cmpf oge, %dot_general3A_329, %ge3A_615 : vector<512x2048xf32>
    %mul3A_617 = vector.broadcast %div3A_614 : vector<1x2048xf32> to vector<512x2048xf32>
    %mul3A_618 = arith.mulf %exp3A_330, %mul3A_617 : vector<512x2048xf32>
    %exp3A_619 = math.exp %mul3A_618 : vector<512x2048xf32>
    %jit3A_620 = arith.constant 0.000000e+00 : f32
    %broadcast_in_dim3A_621 = vector.broadcast %jit3A_620 : f32 to vector<512x2048xf32>
    %select_n3A_622 = arith.select %ge3A_616, %exp3A_619, %broadcast_in_dim3A_621 : vector<512x2048xi1>, vector<512x2048xf32>
    %mul3A_623 = arith.constant 0.000000e+00 : f32
    %mul3A_624 = vector.broadcast %mul3A_623 : f32 to vector<1x2048xf32>
    %mul3A_625 = arith.mulf %broadcast_in_dim3A_555, %mul3A_624 : vector<1x2048xf32>
    %exp3A_626 = math.exp %broadcast_in_dim3A_555 : vector<1x2048xf32>
    %mul3A_627 = arith.mulf %exp3A_626, %div3A_614 : vector<1x2048xf32>
    %exp3A_628 = math.exp %mul3A_627 : vector<1x2048xf32>
    %add3A_629 = arith.addf %mul3A_625, %exp3A_628 : vector<1x2048xf32>
    %exp3A_630 = math.exp %broadcast_in_dim3A_563 : vector<1x2048xf32>
    %mul3A_631 = arith.mulf %exp3A_630, %div3A_614 : vector<1x2048xf32>
    %exp3A_632 = math.exp %mul3A_631 : vector<1x2048xf32>
    %add3A_633 = arith.addf %add3A_629, %exp3A_632 : vector<1x2048xf32>
    %exp3A_634 = math.exp %broadcast_in_dim3A_571 : vector<1x2048xf32>
    %mul3A_635 = arith.mulf %exp3A_634, %div3A_614 : vector<1x2048xf32>
    %exp3A_636 = math.exp %mul3A_635 : vector<1x2048xf32>
    %add3A_637 = arith.addf %add3A_633, %exp3A_636 : vector<1x2048xf32>
    %exp3A_638 = math.exp %broadcast_in_dim3A_579 : vector<1x2048xf32>
    %mul3A_639 = arith.mulf %exp3A_638, %div3A_614 : vector<1x2048xf32>
    %exp3A_640 = math.exp %mul3A_639 : vector<1x2048xf32>
    %add3A_641 = arith.addf %add3A_637, %exp3A_640 : vector<1x2048xf32>
    %exp3A_642 = math.exp %broadcast_in_dim3A_587 : vector<1x2048xf32>
    %mul3A_643 = arith.mulf %exp3A_642, %div3A_614 : vector<1x2048xf32>
    %exp3A_644 = math.exp %mul3A_643 : vector<1x2048xf32>
    %add3A_645 = arith.addf %add3A_641, %exp3A_644 : vector<1x2048xf32>
    %exp3A_646 = math.exp %broadcast_in_dim3A_595 : vector<1x2048xf32>
    %mul3A_647 = arith.mulf %exp3A_646, %div3A_614 : vector<1x2048xf32>
    %exp3A_648 = math.exp %mul3A_647 : vector<1x2048xf32>
    %add3A_649 = arith.addf %add3A_645, %exp3A_648 : vector<1x2048xf32>
    %exp3A_650 = math.exp %broadcast_in_dim3A_603 : vector<1x2048xf32>
    %mul3A_651 = arith.mulf %exp3A_650, %div3A_614 : vector<1x2048xf32>
    %exp3A_652 = math.exp %mul3A_651 : vector<1x2048xf32>
    %add3A_653 = arith.addf %add3A_649, %exp3A_652 : vector<1x2048xf32>
    %exp3A_654 = math.exp %broadcast_in_dim3A_611 : vector<1x2048xf32>
    %mul3A_655 = arith.mulf %exp3A_654, %div3A_614 : vector<1x2048xf32>
    %exp3A_656 = math.exp %mul3A_655 : vector<1x2048xf32>
    %add3A_657 = arith.addf %add3A_653, %exp3A_656 : vector<1x2048xf32>
    %dot_general3A_658 = arith.constant dense<0.000000e+00> : vector<96x2048xf32>
    %dot_general3A_659 = tpu.matmul %get3A_1, %select_n3A_622, %dot_general3A_658 {dimension_numbers = #tpu.dot_dimension_numbers<[0], [0], [1], [1], [0, 1, 1, 1], [], []>, transpose_lhs_hint = false} : vector<512x96xf32>, vector<512x2048xf32>, vector<96x2048xf32> -> vector<96x2048xf32>
    %div3A_660 = vector.broadcast %add3A_657 : vector<1x2048xf32> to vector<96x2048xf32>
    %div3A_661 = arith.divf %dot_general3A_659, %div3A_660 : vector<96x2048xf32>
    %swap3A_662 = arith.constant 0 : index
    %swap3A_663 = arith.constant 0 : index
    %swap3A_664 = vector.load %arg5[%swap3A_662, %swap3A_663] : memref<96x2048xf32, #tpu.memory_space<vmem>>, vector<96x2048xf32>
    tpu.vector_store %arg5[%swap3A_662, %swap3A_663], %div3A_661 {strides = array<i32>} : memref<96x2048xf32, #tpu.memory_space<vmem>>, vector<96x2048xf32>,
    return
  }
  func.func @transform_0(%arg0: i32) -> (i32, i32) {
    %c0_i32 = arith.constant 0 : i32
    %c0_i32_0 = arith.constant 0 : i32
    %c0_i32_1 = arith.constant 0 : i32
    return %c0_i32, %c0_i32_0 : i32, i32
  }
  func.func @transform_1(%arg0: i32) -> (i32, i32) {
    %c0_i32 = arith.constant 0 : i32
    %c0_i32_0 = arith.constant 0 : i32
    return %c0_i32, %arg0 : i32, i32
  }
  func.func @transform_2(%arg0: i32) -> (i32, i32) {
    %c0_i32 = arith.constant 0 : i32
    %c0_i32_0 = arith.constant 0 : i32
    return %c0_i32, %arg0 : i32, i32
  }
  func.func @transform_3(%arg0: i32) -> (i32, i32) {
    %c0_i32 = arith.constant 0 : i32
    %c0_i32_0 = arith.constant 0 : i32
    return %c0_i32, %arg0 : i32, i32
  }
  func.func @transform_4(%arg0: i32) -> (i32, i32) {
    %c0_i32 = arith.constant 0 : i32
    %c0_i32_0 = arith.constant 0 : i32
    return %c0_i32, %arg0 : i32, i32
  }
}

</mosaic_0001>

<sc_bundles>
// kernel: sparse-core-data-format-call.1.cloned.1.call-start
scs
called_computation.1_lowered:
.L_overlay_start_0:
0x0: {  	s2 =	sld [smem:$0x3FD9]  }
0x1: {  	s3 =	sld [smem:$0x3FFE];
	_ =	sdelay $0x1  }
0x2: {  	s1 =	srdreg.scid  }
0x3: {  	s0 =	sand.u32 $0x1, s1  }
0x4: {  	s16 =	sshll.u32 s0, $0xA;
	s2 =	sadd.s32 s3, s2  }
0x5: {  	s2 =	sadd.s32 s2, s16  }
0x6: {  	[smem:$0x3FC5] =	sst s2  }
0x7: {  	_ = 	snop  }
0x8: {  	s2 =	sld [smem:$0x3FD0];
	_ =	sdelay $0x2  }
0x9: {  	s17 =	simm.s32 $0xB;
	s4 =	simm.s32 $0x10  }
0xa: {  	[smem:s4], [sflag:s17] =	dma.local [hbm:s2], $0x1  }
0xb: {  	_ =	swait.eq [sflag:s17], $0x1  }
0xc: {  	[sflag:s17] =	ssyncset.done $0x0  }
0xd: {  	[sflag:s17] =	ssyncadd.s32 $0xFFFFFFFF  }
0xe: {  	s18 =	sld [smem:$0x10];
	(tm) =	ssettm $0x1  }
0xf: {  	s19 =	sld [smem:$0x3FFB];
	_ =	sdelay $0x3  }
0x10: {  	_ =	strace s19  }
0x11: {  	s2 =	sld [smem:$0x3FFC];
	_ =	sdelay $0x3  }
0x12: {  	_ =	strace s2  }
0x13: {  	s2 =	sld [smem:$0x3FFD];
	_ =	sdelay $0x3  }
0x14: {  	_ =	strace s2  }
0x15: {  	_ =	strace $0x8FFFFFFF  }
0x16: {  	s20 =	sld [smem:$0x3FDB];
	_ =	sdelay $0x1  }
0x17: {  	s21 =	simm.s32 $_scs_section_size  }
0x18: {  	s5 =	simm.s32 $_size__tile_overlayer_lowered;
	s6 =	simm.s32 $_tile_overlayer_lowered  }
0x19: {  	s7 =	simm.s32 $0x1BFF;
	s22 =	sshll.u32 s6, $0x1;
	s4 =	sadd.s32 s21, s20  }
0x1a: {  	s23 =	simm.s32 $0x0;
	s5 =	sshll.u32 s5, $0x1;
	s6 =	sadd.s32 s22, s4  }
0x1b: {  	[timem:s23], [sflag:s7] =	dma.local [hbm:s6], s5  }
0x1c: {  	_ =	swait.ge [sflag:s7], s5  }
0x1d: {  	s5 =	ssub.s32 $0x0, s5;
	[sflag:s7] =	ssyncset.done $0x0  }
0x1e: {  	[sflag:s7] =	ssyncadd.s32 s5;
	_ =	sdelay $0x1  }
0x1f: {  	s24 =	simm.s32 $0x1B8B  }
0x20: {  	_ =	swait.ge [sflag:s24], $0x1  }
0x21: {  	[sflag:s24] =	ssyncset.done $0x0  }
0x22: {  	[sflag:s24] =	ssyncadd.s32 $0xFFFFFFFF  }
0x23: {  	s5 =	sld [smem:$0x0]  }
0x24: {  	s6 =	sand.u32 $0xFFFFFFFE, s1  }
0x25: {  	p0 =	sne.s32 s1, s6  }
0x26: {  	s6 =	sshll.u32 @p0 s6, $0xE  }
0x27: {  	s6 =	sadd.s32 @p0 $0x11B8D, s6;
	s7 =	sshll.u32 @p0 s5, $0x11  }
0x28: {  	s6 =	sor.u32 @p0 s7, s6  }
0x29: {  	[sflag:s6] =	ssyncadd.remote.s32 @p0 $0x1;
	_ =	sdelay $0x1  }
0x2a: {  	s6 =	simm.s32 @p0 $0x1B8D  }
0x2b: {  	_ =	swait.eq @p0 [sflag:s6], $0x1  }
0x2c: {  	[sflag:s6] =	ssyncadd.s32 @p0 $0xFFFFFFFF  }
0x2d: {  	s7 =	sshll.u32 @!p0 s1, $0xE  }
0x2e: {  	s7 =	sor.u32 @!p0 $0x4000, s7;
	s6 =	simm.s32 @!p0 $0x1B8D  }
0x2f: {  	s5 =	sshll.u32 @!p0 s5, $0x11;
	s7 =	sadd.s32 @!p0 $0x11B8D, s7;
	_ =	swait.eq @!p0 [sflag:s6], $0x1  }
0x30: {  	s5 =	sor.u32 @!p0 s5, s7;
	[sflag:s6] =	ssyncadd.s32 @!p0 $0xFFFFFFFF  }
0x31: {  	s26 =	simm.s32 $0x1B8E;
	s25 =	sld [smem:$0x3FFE];
	[sflag:s5] =	ssyncadd.remote.s32 @!p0 $0x1  }
0x32: {  	s27 =	simm.s32 $execute0_lowered;
	[smem:$0x3FD2] =	sst s26  }
0x33: {  	s6 =	sshll.u32 s27, $0x1;
	_ =	strace $0x8000004F;
	[dreg:$0x1] =	wrdreg $0xFFFFFFFF  }
0x34: {  	s28 =	simm.s32 $_size_execute0_lowered;
	s4 =	sadd.s32 s4, s6;
	[dreg:$0x0] =	wrdreg $0x0  }
0x35: {  	s6 =	sshll.u32 s28, $0x1;
	[dreg:$0x2] =	wrdreg s4  }
0x36: {  	[dreg:$0x3] =	wrdreg s6  }
0x37: {  	[dreg:$0x4] =	wrdreg $0xC0  }
0x38: {  	_ =	task [dreg:s23], $0x5FFFF  }
0x39: {  	[dreg:$0x1] =	wrdreg $0xFFFFFFFF  }
0x3a: {  	[dreg:$0x0] =	wrdreg $0x60  }
0x3b: {  	[dreg:$0x2] =	wrdreg s25  }
0x3c: {  	[dreg:$0x3] =	wrdreg s18  }
0x3d: {  	[dreg:$0x4] =	wrdreg $0xA  }
0x3e: {  	_ =	task.clear_ibuf [dreg:s23], $0x5FFFF;
	_ =	strace $0x9000004F  }
0x3f: {  	s29 =	simm.s32 $0xA;
	_ =	strace $0x80000051  }
0x40: {  	_ =	swait.ge [sflag:s29], $0x1  }
0x41: {  	[sflag:s29] =	ssyncadd.s32 $0xFFFFFFFF  }
0x42: {  	_ =	strace $0x90000051  }
0x43: {  	_ =	sfence  }
0x44: {  	s30 =	sld [smem:$0x0];
	_ =	sdelay $0x2  }
0x45: {  	s31 =	sshll.u32 s1, $0xD;
	s1 =	sshrl.u32 s1, $0x2  }
0x46: {  	s4 =	sand.u32 $0x4000, s31;
	s1 =	sadd.s32 s1, s30  }
0x47: {  	s0 =	sor.u32 s4, s0;
	s1 =	sshll.u32 s1, $0x11  }
0x48: {  	s0 =	sor.u32 s1, s0  }
0x49: {  	s0 =	sadd.s32 $0x8F2B, s0  }
0x4a: {  	[sflag:s0] =	ssyncadd.remote.s32 $0x1  }
0x4b: {  	_ =	sfence.sel $0xFFFF  }
0x4c: {  	[dreg:$0x0] =	wrdreg $0xFFFFFFFF;
	(pc) =	sbr.abs _section_cstart, $3  }
0x4d: {  	[dreg:$0x1] =	wrdreg $0xFFFFFFFF  }
0x4e: {  	_ =	task.clear_ibuf [dreg:s23], $0x2FFFF;
	_ =	strace $0x9FFFFFFF  }
0x4f: {  	(tm) =	ssettm $0x7FFFFFFF  }
tec
execute0_lowered:
.L_overlay_start_1:
0x0: {  	(tag) =	ssettag $0x1  }
0x1: {  	s1 =	rddreg [dreg:$0x0]  }
0x2: {  	s2 =	rddreg [dreg:$0x1]  }
0x3: {  	s0 =	rddreg [dreg:$0x2];
	s4 =	srdreg.scid  }
0x4: {  	_ =	strace $0x80000050;
	s7 =	simm.s32 $0x2;
	s15 =	simm.s32 $0x0  }
0x5: {  	p0 =	por $0x0, $0x0;
	s13 =	simm.s32 $0x0;
	s16 =	simm.s32 $0x0  }
0x6: {  	s14 =	simm.s32 $0x0;
	s9 =	simm.s32 $0x0;
	s11 =	simm.s32 $0x0  }
.Ltmp0:
0x7: {  	s3 =	sadd.s32 $0x1B1400, s1;
	s4 =	sshll.u32 s4, $0x4;
	(pc) =	sbr.rel .LBB1_1-.Ltmp0, $4  }
0x8: {  	s1 =	stileid.u32;
	s5 =	sand.u32 $0x10, s4;
	s4 =	simm.s32 $0x1  }
0x9: {  	s8 =	simm.s32 $0x0;
	s6 =	sor.u32 s1, s5;
	[sflag:s4] =	ssyncpa.u1 $0x0  }
0xa: {  	s5 =	sand.u32 $0x3, s1;
	s6 =	sshrl.u32 s6, $0x2;
	[sflag:s7] =	ssyncpa.u1 $0x0  }
0xb: {  	s7 =	simm.s32 $0xC00;
	s12 =	smov.u32 s5;
	s10 =	smov.u32 s6  }
.LBB1_5:
0xc: {  	s17 =	sadd.s32 $0x80, s9  }
0xd: {  	s13 =	sadd.s32 $0x8, s10;
	s18 =	smov.u32 s10;
	p2 =	sgt.s32 s17, $0x17F  }
0xe: {  	s18 =	smov.u32 @p2 s13  }
0xf: {  	s19 =	smov.u32 s11;
	s13 =	sadd.s32 $0x80, s11;
	p3 =	sgt.s32 s18, $0x7  }
0x10: {  	s19 =	smov.u32 @p3 s13  }
0x11: {  	s20 =	smov.u32 s12;
	s13 =	sadd.s32 $0x4, s12;
	p4 =	sgt.s32 s19, $0x17F  }
0x12: {  	p1 =	slt.u32 s8, $0x2;
	s20 =	smov.u32 @p4 s13  }
0x13: {  	s8 =	sadd.s32 $0x1, s8;
	s17 =	simm.s32 @p2 $0x0;
	p2 =	sgt.s32 s20, $0xB  }
0x14: {  	s15 =	smov.u32 s9;
	s20 =	smov.u32 @p2 s5;
	p2 =	sne.s32 s8, $0x1D  }
.Ltmp1:
0x15: {  	s16 =	smov.u32 s11;
	s21 =	simm.s32 @!p1 $0x2;
	(pc) =	sbr.rel @!p2 .LBB1_6-.Ltmp1, $4  }
0x16: {  	s14 =	smov.u32 s12;
	p0 =	por !p0, !p0;
	_ =	swait.ge @!p1 [sflag:s21], $0x4000  }
0x17: {  	[sflag:s21] =	ssyncset.done @!p1 $0x0;
	s9 =	smov.u32 s17;
	s18 =	smov.u32 @p3 s6  }
0x18: {  	[sflag:s21] =	ssyncadd.s32 @!p1 $0xFFFFC000;
	s19 =	simm.s32 @p4 $0x0;
	s13 =	smov.u32 s10  }
0x19: {  	s10 =	smov.u32 s18;
	s11 =	smov.u32 s19;
	s12 =	smov.u32 s20  }
.LBB1_1:
0x1a: {  	p1 =	sgt.u32 s8, $0x1A  }
0x1b: {  	s17 =	sshrl.u32 @!p1 s10, $0x3  }
0x1c: {  	s18 =	sshll.u32 @!p1 s9, $0x3;
	s17 =	smul.u32 @!p1 $0xC00, s17  }
0x1d: {  	s19 =	sshll.u32 @!p1 s10, $0x7;
	s18 =	sand.u32 @!p1 $0xFFFFFC00, s18  }
0x1e: {  	s17 =	sadd.s32 @!p1 s17, s18;
	s18 =	sand.u32 @!p1 $0x380, s19  }
0x1f: {  	s19 =	sand.u32 @!p1 $0x7F, s9;
	s17 =	sor.u32 @!p1 s18, s17  }
0x20: {  	s18 =	sor.u32 @!p1 s19, s17  }
0x21: {  	s19 =	smulhi.u32 @!p1 $0xAAAAAAAB, s18  }
0x22: {  	s17 =	smulhi.u32 @!p1 $0xAAAAAAAB, s17  }
0x23: {  	s21 =	smul.u32 @!p1 $0x24000, s12;
	s19 =	sshrl.u32 @!p1 s19, $0x8  }
0x24: {  	s20 =	sxor.u32 @!p1 $0xFFFFFFFF, s8;
	s17 =	sshrl.u32 @!p1 s17, $0x8;
	s19 =	smul.u32 @!p1 $0x180, s19  }
0x25: {  	s22 =	smul.u32 @!p1 $0x180, s11;
	s20 =	sshll.u32 @!p1 s20, $0xE;
	s17 =	sand.u32 @!p1 $0x7, s17  }
0x26: {  	s17 =	smul.u32 @!p1 $0x30, s17;
	s18 =	ssub.s32 @!p1 s18, s19;
	s19 =	sadd.s32 @!p1 s3, s21  }
0x27: {  	s20 =	sand.u32 @!p1 $0x4000, s20;
	s19 =	sadd.s32 @!p1 s22, s19;
	s21 =	sand.u32 @!p1 $0x7, s18  }
0x28: {  	s18 =	sshrl.u32 @!p1 s18, $0x3;
	s17 =	sadd.s32 @!p1 s17, s19;
	s19 =	sshll.u32 @!p1 s21, $0x12  }
0x29: {  	s17 =	sadd.s32 @!p1 s18, s17;
	s18 =	sor.u32 @!p1 $0x80, s19;
	s19 =	simm.s32 @!p1 $0xC00  }
0x2a: {  	[tilespmem:s20], [sflag:$0x1] =	stream.strided.gather @!p1 [hbm4b:s17+s18], $0x4000, s19, s18, $0x38;
	[tilespmem:$0x10000] =	vst v63  }
0x2b: {  	p1 =	seq.s32 s8, $0x0  }
0x2c: {  	p2 =	seq.s32 @!p1 s8, $0x1C  }
0x2d: {  	p1 =	por p1, p2  }
.Ltmp2:
0x2e: {  	_ = 	snop;
	(pc) =	sbr.rel @p1 .LBB1_5-.Ltmp2, $1  }
0x2f: {  	_ =	sdelay $0x3  }
0x30: {  	s17 =	simm.s32 $0x1  }
0x31: {  	s17 =	simm.s32 @!p0 $0x0  }
0x32: {  	s17 =	sshll.u32 s17, $0xE  }
0x33: {  	s18 =	sor.u32 $0x70, s17  }
0x34: {  	v1 =	vmov s18;
	_ =	sdelay $0x1  }
0x35: {  	_ =	swait.ge [sflag:s4], $0x4000  }
0x36: {  	[sflag:s4] =	ssyncset.done $0x0  }
0x37: {  	s19 =	simm.s32 $0x0;
	[sflag:s4] =	ssyncadd.s32 $0xFFFFC000  }
0x38: {  	s17 =	sor.u32 $0x8040, s17;
	v6 =	vld.idx.msk [tilespmem:v1+s19+$0x0 ss:$0x1], $0xffff  }
0x39: {  	v0 =	vmov s17;
	v8 =	vld.idx.msk [tilespmem:v1+s19+$0xFFFFFF90 ss:$0x1], $0xffff  }
0x3a: {  	v7 =	vld.idx.msk [tilespmem:v1+s19+$0xFFFFFFA0 ss:$0x1], $0xffff  }
0x3b: {  	v5 =	vld.idx.msk [tilespmem:v1+s19+$0xFFFFFFB0 ss:$0x1], $0xffff  }
0x3c: {  	v4 =	vld.idx.msk [tilespmem:v1+s19+$0xFFFFFFC0 ss:$0x1], $0xffff  }
0x3d: {  	s31 =	sshll.u32 s8, $0xE;
	v2 =	vld.idx.msk [tilespmem:v1+s19+$0xFFFFFFD0 ss:$0x1], $0xffff  }
0x3e: {  	s17 =	sand.u32 $0x4000, s31;
	v3 =	vld.idx.msk [tilespmem:v1+s19+$0xFFFFFFE0 ss:$0x1], $0xffff;
	[tilespmem:v0+s19+$0x30 ss:$0x1] =	vst.idx.msk $0xffff, v6  }
0x3f: {  	s20 =	simm.s32 $0x400;
	s18 =	simm.s32 $0x80;
	s17 =	sor.u32 $0x8000, s17;
	[tilespmem:v0+s19+$0xFFFFFFC0 ss:$0x1] =	vst.idx.msk $0xffff, v8;
	v6 =	vld.idx.msk [tilespmem:v1+s19+$0xFFFFFFF0 ss:$0x1], $0xffff  }
.LBB1_3:
0x40: {  	p1 =	sne.s32 s20, $0xFE00;
	v8 =	vld.idx.msk [tilespmem:v1+s18+$0x0 ss:$0x1], $0xffff;
	[tilespmem:v0+s19+$0xFFFFFFD0 ss:$0x1] =	vst.idx.msk $0xffff, v7  }
0x41: {  	v9 =	vld.idx.msk [tilespmem:v1+s18+$0xFFFFFF90 ss:$0x1], $0xffff;
	[tilespmem:v0+s19+$0xFFFFFFE0 ss:$0x1] =	vst.idx.msk $0xffff, v5  }
0x42: {  	v7 =	vld.idx.msk [tilespmem:v1+s18+$0xFFFFFFA0 ss:$0x1], $0xffff;
	[tilespmem:v0+s19+$0xFFFFFFF0 ss:$0x1] =	vst.idx.msk $0xffff, v4  }
.Ltmp3:
0x43: {  	v5 =	vld.idx.msk [tilespmem:v1+s18+$0xFFFFFFB0 ss:$0x1], $0xffff;
	[tilespmem:v0+s19+$0x0 ss:$0x1] =	vst.idx.msk $0xffff, v2;
	(pc) =	sbr.rel @p1 .LBB1_3-.Ltmp3, $4  }
0x44: {  	v4 =	vld.idx.msk [tilespmem:v1+s18+$0xFFFFFFC0 ss:$0x1], $0xffff;
	[tilespmem:v0+s19+$0x10 ss:$0x1] =	vst.idx.msk $0xffff, v3  }
0x45: {  	v2 =	vld.idx.msk [tilespmem:v1+s18+$0xFFFFFFD0 ss:$0x1], $0xffff;
	[tilespmem:v0+s19+$0x20 ss:$0x1] =	vst.idx.msk $0xffff, v6;
	s19 =	smov.u32 s18  }
0x46: {  	v3 =	vld.idx.msk [tilespmem:v1+s19+$0xFFFFFFE0 ss:$0x1], $0xffff;
	[tilespmem:v0+s19+$0x30 ss:$0x1] =	vst.idx.msk $0xffff, v8  }
0x47: {  	s18 =	sshra.s32 s20, $0x2;
	s20 =	sadd.s32 $0x200, s20;
	[tilespmem:v0+s19+$0xFFFFFFC0 ss:$0x1] =	vst.idx.msk $0xffff, v9;
	v6 =	vld.idx.msk [tilespmem:v1+s19+$0xFFFFFFF0 ss:$0x1], $0xffff  }
0x48: {  	s20 =	sshrl.u32 s16, $0x3  }
0x49: {  	s21 =	sshll.u32 s15, $0x3;
	s20 =	smul.u32 $0xC00, s20  }
0x4a: {  	s26 =	sshll.u32 s16, $0x7;
	s21 =	sand.u32 $0xFFFFFC00, s21  }
0x4b: {  	s16 =	sand.u32 $0x380, s26;
	s20 =	sadd.s32 s20, s21  }
0x4c: {  	[tilespmem:v0+s19+$0xFFFFFFD0 ss:$0x1] =	vst.idx.msk $0xffff, v7;
	s27 =	sand.u32 $0x7F, s15;
	s16 =	sor.u32 s16, s20  }
0x4d: {  	v56 =	vld.idx.msk [tilespmem:v1+s18+$0x0 ss:$0x1], $0xffff;
	[tilespmem:v0+s19+$0xFFFFFFE0 ss:$0x1] =	vst.idx.msk $0xffff, v5;
	s15 =	sor.u32 s27, s16;
	s16 =	smulhi.u32 $0xAAAAAAAB, s16  }
0x4e: {  	v57 =	vld.idx.msk [tilespmem:v1+s18+$0xFFFFFF90 ss:$0x1], $0xffff;
	[tilespmem:v0+s19+$0xFFFFFFF0 ss:$0x1] =	vst.idx.msk $0xffff, v4  }
0x4f: {  	v58 =	vld.idx.msk [tilespmem:v1+s18+$0xFFFFFFA0 ss:$0x1], $0xffff;
	s14 =	smul.u32 $0x24000, s14;
	[tilespmem:v0+s19+$0x0 ss:$0x1] =	vst.idx.msk $0xffff, v2;
	s16 =	sshrl.u32 s16, $0x8  }
0x50: {  	v59 =	vld.idx.msk [tilespmem:v1+s18+$0xFFFFFFB0 ss:$0x1], $0xffff;
	[tilespmem:v0+s19+$0x10 ss:$0x1] =	vst.idx.msk $0xffff, v3;
	s30 =	smulhi.u32 $0xAAAAAB, s16  }
0x51: {  	v60 =	vld.idx.msk [tilespmem:v1+s18+$0xFFFFFFC0 ss:$0x1], $0xffff;
	[tilespmem:v0+s19+$0x20 ss:$0x1] =	vst.idx.msk $0xffff, v6;
	s28 =	smulhi.u32 $0xAAAAAAAB, s15  }
0x52: {  	v61 =	vld.idx.msk [tilespmem:v1+s18+$0xFFFFFFD0 ss:$0x1], $0xffff;
	[tilespmem:v0+s18+$0x30 ss:$0x1] =	vst.idx.msk $0xffff, v56;
	s20 =	smul.u32 $0x180, s30  }
0x53: {  	v62 =	vld.idx.msk [tilespmem:v1+s18+$0xFFFFFFE0 ss:$0x1], $0xffff;
	s13 =	smul.u32 $0x4800, s13;
	[tilespmem:v0+s18+$0xFFFFFFC0 ss:$0x1] =	vst.idx.msk $0xffff, v57;
	s29 =	sshrl.u32 s28, $0x8  }
0x54: {  	v63 =	vld.idx.msk [tilespmem:v1+s18+$0xFFFFFFF0 ss:$0x1], $0xffff;
	[tilespmem:v0+s18+$0xFFFFFFD0 ss:$0x1] =	vst.idx.msk $0xffff, v58;
	s19 =	smul.u32 $0x180, s29;
	s16 =	ssub.s32 s16, s20  }
0x55: {  	[tilespmem:v0+s18+$0xFFFFFFE0 ss:$0x1] =	vst.idx.msk $0xffff, v59;
	s16 =	smul.u32 $0x30, s16  }
.Ltmp4:
0x56: {  	s14 =	sadd.s32 s2, s14;
	[tilespmem:v0+s18+$0xFFFFFFF0 ss:$0x1] =	vst.idx.msk $0xffff, v60;
	s15 =	ssub.s32 s15, s19;
	(pc) =	sbr.rel .LBB1_5-.Ltmp4, $4  }
0x57: {  	s13 =	sadd.s32 s13, s14;
	[tilespmem:v0+s18+$0x0 ss:$0x1] =	vst.idx.msk $0xffff, v61;
	s31 =	sand.u32 $0x7, s15  }
0x58: {  	[tilespmem:v0+s18+$0x10 ss:$0x1] =	vst.idx.msk $0xffff, v62;
	s15 =	sshrl.u32 s15, $0x3;
	s14 =	sshll.u32 s31, $0x12;
	s13 =	sadd.s32 s16, s13  }
0x59: {  	[tilespmem:v0+s18+$0x20 ss:$0x1] =	vst.idx.msk $0xffff, v63;
	s14 =	sor.u32 $0x400, s14;
	s13 =	sadd.s32 s15, s13  }
0x5a: {  	[hbm4b:s13+s14] =	stream.strided.scatter [tilespmem:s17], [sflag:$0x2], $0x4000, s7, s14, $0x38;
	[tilespmem:$0x10000] =	vst v63  }
.LBB1_6:
0x5b: {  	_ =	sfence.sel $0x180000  }
0x5c: {  	s2 =	simm.s32 $0x1;
	[bflag:$0x0] =	sbarrier.arrive $0xFFFF  }
0x5d: {  	s31 =	simm.s32 $0x2;
	[sflag:s2] =	ssyncpa.u1 $0x1  }
0x5e: {  	[sflag:s31] =	ssyncpa.u1 $0x1  }
0x5f: {  	p0 =	sne.s32 s1, $0x0;
	_ =	strace $0x90000050  }
0x60: {  	s0 =	sadd.s32 @!p0 $0x100000, s0;
	[bflag:$0x2] =	sbarrier.arrive $0xFFFF  }
0x61: {  	[sflag:s0] =	ssyncadd.tile.s32 @!p0 $0x1;
	_ =	shalt  }
.Lfunc_end1:
_tile_overlayer_lowered:
.L_overlay_start_2:
0x62: {  	(tag) =	ssettag $0x2  }
0x63: {  	s0 =	rddreg [dreg:$0x0];
	s2 =	stileid.u32  }
0x64: {  	s1 =	rddreg [dreg:$0x1];
	p0 =	sne.s32 s2, $0x0  }
0x65: {  	s3 =	rddreg [dreg:$0x2];
	[bflag:$0x3] =	sbarrier.arrive $0xFFFF;
	s2 =	simm.s32 @!p0 $0x1C01  }
0x66: {  	[timem:s3], [sflag:s2] =	dma.local @!p0 [hbm:s0], s1  }
0x67: {  	s0 =	simm.s32 @!p0 $0x1  }
0x68: {  	_ =	swait.ge @!p0 [sflag:s0], s1  }
0x69: {  	s1 =	ssub.s32 @!p0 $0x0, s1;
	[sflag:s0] =	ssyncset.done @!p0 $0x0  }
0x6a: {  	[sflag:s0] =	ssyncadd.s32 @!p0 s1  }
0x6b: {  	[bflag:$0x3] =	sbarrier.arrive $0xFFFF  }
0x6c: {  	_ =	shalt  }

// kernel: sparse-core-data-format-call.2.cloned.1.call-start
scs
called_computation.2_lowered:
.L_overlay_start_0:
0x0: {  	s2 =	sld [smem:$0x3FD9]  }
0x1: {  	s3 =	sld [smem:$0x3FFE];
	_ =	sdelay $0x1  }
0x2: {  	s1 =	srdreg.scid  }
0x3: {  	s0 =	sand.u32 $0x1, s1  }
0x4: {  	s17 =	sshll.u32 s0, $0xA;
	s2 =	sadd.s32 s3, s2  }
0x5: {  	s2 =	sadd.s32 s2, s17  }
0x6: {  	[smem:$0x3FC5] =	sst s2  }
0x7: {  	_ = 	snop  }
0x8: {  	s18 =	sld [smem:$0x3FD0];
	_ =	sdelay $0x2  }
0x9: {  	s4 =	simm.s32 $0xB;
	s5 =	simm.s32 $0x10;
	s2 =	sld [smem:$0x3FC8]  }
0xa: {  	[smem:s5], [sflag:s4] =	dma.local [hbm:s18], $0x1  }
0xb: {  	_ =	swait.eq [sflag:s4], $0x1  }
0xc: {  	[sflag:s4] =	ssyncset.done $0x0  }
0xd: {  	[sflag:s4] =	ssyncadd.s32 $0xFFFFFFFF  }
0xe: {  	s19 =	sld [smem:$0x11];
	(tm) =	ssettm $0x1  }
0xf: {  	s20 =	sld [smem:$0x3FFB];
	_ =	sdelay $0x3  }
0x10: {  	_ =	strace s20  }
0x11: {  	s3 =	sld [smem:$0x3FFC];
	_ =	sdelay $0x3  }
0x12: {  	_ =	strace s3  }
0x13: {  	s3 =	sld [smem:$0x3FFD];
	_ =	sdelay $0x3  }
0x14: {  	_ =	strace s3  }
0x15: {  	_ =	strace $0x8FFFFFFF  }
0x16: {  	s21 =	sld [smem:$0x3FDB];
	_ =	sdelay $0x1  }
0x17: {  	s22 =	simm.s32 $_scs_section_size  }
0x18: {  	s6 =	simm.s32 $_size__tile_overlayer_lowered;
	s7 =	simm.s32 $_tile_overlayer_lowered  }
0x19: {  	s8 =	simm.s32 $0x1BFF;
	s23 =	sshll.u32 s7, $0x1;
	s5 =	sadd.s32 s22, s21  }
0x1a: {  	s24 =	simm.s32 $0x0;
	s6 =	sshll.u32 s6, $0x1;
	s7 =	sadd.s32 s23, s5  }
0x1b: {  	[timem:s24], [sflag:s8] =	dma.local [hbm:s7], s6  }
0x1c: {  	_ =	swait.ge [sflag:s8], s6  }
0x1d: {  	s6 =	ssub.s32 $0x0, s6;
	[sflag:s8] =	ssyncset.done $0x0  }
0x1e: {  	[sflag:s8] =	ssyncadd.s32 s6;
	_ =	sdelay $0x1  }
0x1f: {  	s25 =	simm.s32 $0x1B8B  }
0x20: {  	_ =	swait.ge [sflag:s25], $0x1  }
0x21: {  	[sflag:s25] =	ssyncset.done $0x0  }
0x22: {  	[sflag:s25] =	ssyncadd.s32 $0xFFFFFFFF  }
0x23: {  	s6 =	sld [smem:$0x0]  }
0x24: {  	s7 =	sand.u32 $0xFFFFFFFE, s1  }
0x25: {  	p0 =	sne.s32 s1, s7  }
0x26: {  	s7 =	sshll.u32 @p0 s7, $0xE  }
0x27: {  	s7 =	sadd.s32 @p0 $0x11B8D, s7;
	s8 =	sshll.u32 @p0 s6, $0x11  }
0x28: {  	s7 =	sor.u32 @p0 s8, s7  }
0x29: {  	[sflag:s7] =	ssyncadd.remote.s32 @p0 $0x1;
	_ =	sdelay $0x1  }
0x2a: {  	s7 =	simm.s32 @p0 $0x1B8D  }
0x2b: {  	_ =	swait.eq @p0 [sflag:s7], $0x1  }
0x2c: {  	[sflag:s7] =	ssyncadd.s32 @p0 $0xFFFFFFFF  }
0x2d: {  	s8 =	sshll.u32 @!p0 s1, $0xE  }
0x2e: {  	s8 =	sor.u32 @!p0 $0x4000, s8;
	s7 =	simm.s32 @!p0 $0x1B8D  }
0x2f: {  	s6 =	sshll.u32 @!p0 s6, $0x11;
	s8 =	sadd.s32 @!p0 $0x11B8D, s8;
	_ =	swait.eq @!p0 [sflag:s7], $0x1  }
0x30: {  	s6 =	sor.u32 @!p0 s6, s8;
	[sflag:s7] =	ssyncadd.s32 @!p0 $0xFFFFFFFF  }
0x31: {  	s26 =	simm.s32 $0x1B8E;
	[sflag:s6] =	ssyncadd.remote.s32 @!p0 $0x1  }
0x32: {  	s27 =	simm.s32 $execute0_lowered;
	[smem:$0x3FD2] =	sst s26  }
0x33: {  	s6 =	sshll.u32 s27, $0x1;
	_ =	strace $0x80000049;
	[dreg:$0x1] =	wrdreg $0xFFFFFFFF  }
0x34: {  	s28 =	simm.s32 $_size_execute0_lowered;
	s5 =	sadd.s32 s5, s6;
	[dreg:$0x0] =	wrdreg $0x0  }
0x35: {  	s6 =	sshll.u32 s28, $0x1;
	[dreg:$0x2] =	wrdreg s5  }
0x36: {  	[dreg:$0x3] =	wrdreg s6  }
0x37: {  	[dreg:$0x4] =	wrdreg $0xC0  }
0x38: {  	_ =	task [dreg:s24], $0x5FFFF  }
0x39: {  	[dreg:$0x1] =	wrdreg $0xFFFFFFFF  }
0x3a: {  	[dreg:$0x0] =	wrdreg $0x60  }
0x3b: {  	[dreg:$0x2] =	wrdreg s2  }
0x3c: {  	[dreg:$0x3] =	wrdreg s19  }
0x3d: {  	[dreg:$0x4] =	wrdreg $0x9  }
0x3e: {  	_ =	task.clear_ibuf [dreg:s24], $0x5FFFF;
	_ =	strace $0x90000049  }
0x3f: {  	s29 =	simm.s32 $0x9;
	_ =	strace $0x8000004B  }
0x40: {  	_ =	swait.ge [sflag:s29], $0x1  }
0x41: {  	[sflag:s29] =	ssyncadd.s32 $0xFFFFFFFF  }
0x42: {  	_ =	strace $0x9000004B  }
0x43: {  	_ =	sfence  }
0x44: {  	s30 =	sld [smem:$0x0];
	_ =	sdelay $0x2  }
0x45: {  	s31 =	sshll.u32 s1, $0xD;
	s1 =	sshrl.u32 s1, $0x2  }
0x46: {  	s4 =	sand.u32 $0x4000, s31;
	s1 =	sadd.s32 s1, s30  }
0x47: {  	s0 =	sor.u32 s4, s0;
	s1 =	sshll.u32 s1, $0x11  }
0x48: {  	s0 =	sor.u32 s1, s0  }
0x49: {  	s0 =	sadd.s32 $0x8F2B, s0  }
0x4a: {  	[sflag:s0] =	ssyncadd.remote.s32 $0x1  }
0x4b: {  	_ =	sfence.sel $0xFFFF  }
0x4c: {  	[dreg:$0x0] =	wrdreg $0xFFFFFFFF;
	(pc) =	sbr.abs _section_cstart, $3  }
0x4d: {  	[dreg:$0x1] =	wrdreg $0xFFFFFFFF  }
0x4e: {  	_ =	task.clear_ibuf [dreg:s24], $0x2FFFF;
	_ =	strace $0x9FFFFFFF  }
0x4f: {  	(tm) =	ssettm $0x7FFFFFFF  }
tec
execute0_lowered:
.L_overlay_start_1:
0x0: {  	(tag) =	ssettag $0x1  }
0x1: {  	s2 =	rddreg [dreg:$0x0]  }
0x2: {  	s3 =	rddreg [dreg:$0x1]  }
0x3: {  	s0 =	rddreg [dreg:$0x2]  }
0x4: {  	s1 =	srdreg.scid;
	_ =	strace $0x8000004A;
	s7 =	simm.s32 $0x2  }
0x5: {  	s15 =	simm.s32 $0x0;
	p0 =	por $0x0, $0x0;
	s13 =	simm.s32 $0x0  }
0x6: {  	s16 =	simm.s32 $0x0;
	s14 =	simm.s32 $0x0;
	s9 =	simm.s32 $0x0  }
.Ltmp0:
0x7: {  	s10 =	simm.s32 $0x0;
	s4 =	sshll.u32 s1, $0x4;
	(pc) =	sbr.rel .LBB1_1-.Ltmp0, $4  }
0x8: {  	s1 =	stileid.u32;
	s5 =	sand.u32 $0x10, s4;
	s4 =	simm.s32 $0x1  }
0x9: {  	s8 =	simm.s32 $0x0;
	s6 =	sor.u32 s1, s5;
	[sflag:s4] =	ssyncpa.u1 $0x0  }
0xa: {  	s5 =	sand.u32 $0x3, s1;
	s6 =	sshrl.u32 s6, $0x2;
	[sflag:s7] =	ssyncpa.u1 $0x0  }
0xb: {  	s7 =	simm.s32 $0xC00;
	s12 =	smov.u32 s5;
	s11 =	smov.u32 s6  }
.LBB1_5:
0xc: {  	s17 =	sadd.s32 $0x80, s9  }
0xd: {  	s13 =	sadd.s32 $0x80, s10;
	s18 =	smov.u32 s10;
	p2 =	sgt.s32 s17, $0x17F  }
0xe: {  	s18 =	smov.u32 @p2 s13  }
0xf: {  	s19 =	smov.u32 s11;
	s13 =	sadd.s32 $0x8, s11;
	p3 =	sgt.s32 s18, $0x17F  }
0x10: {  	s19 =	smov.u32 @p3 s13  }
0x11: {  	s20 =	smov.u32 s12;
	s13 =	sadd.s32 $0x4, s12;
	p4 =	sgt.s32 s19, $0x7  }
0x12: {  	p1 =	slt.u32 s8, $0x2;
	s20 =	smov.u32 @p4 s13  }
0x13: {  	s8 =	sadd.s32 $0x1, s8;
	s17 =	simm.s32 @p2 $0x0;
	p2 =	sgt.s32 s20, $0xB  }
0x14: {  	s15 =	smov.u32 s9;
	s20 =	smov.u32 @p2 s5;
	p2 =	sne.s32 s8, $0x1D  }
.Ltmp1:
0x15: {  	s16 =	smov.u32 s11;
	s21 =	simm.s32 @!p1 $0x2;
	(pc) =	sbr.rel @!p2 .LBB1_6-.Ltmp1, $4  }
0x16: {  	s14 =	smov.u32 s12;
	p0 =	por !p0, !p0;
	_ =	swait.ge @!p1 [sflag:s21], $0x4000  }
0x17: {  	[sflag:s21] =	ssyncset.done @!p1 $0x0;
	s9 =	smov.u32 s17;
	s18 =	simm.s32 @p3 $0x0  }
0x18: {  	[sflag:s21] =	ssyncadd.s32 @!p1 $0xFFFFC000;
	s19 =	smov.u32 @p4 s6;
	s13 =	smov.u32 s10  }
0x19: {  	s10 =	smov.u32 s18;
	s11 =	smov.u32 s19;
	s12 =	smov.u32 s20  }
.LBB1_1:
0x1a: {  	p1 =	sgt.u32 s8, $0x1A  }
0x1b: {  	s17 =	sshrl.u32 @!p1 s10, $0x3  }
0x1c: {  	s18 =	sshll.u32 @!p1 s9, $0x3;
	s17 =	smul.u32 @!p1 $0xC00, s17  }
0x1d: {  	s19 =	sshll.u32 @!p1 s10, $0x7;
	s18 =	sand.u32 @!p1 $0xFFFFFC00, s18  }
0x1e: {  	s17 =	sadd.s32 @!p1 s17, s18;
	s18 =	sand.u32 @!p1 $0x380, s19  }
0x1f: {  	s19 =	sand.u32 @!p1 $0x7F, s9;
	s17 =	sor.u32 @!p1 s18, s17  }
0x20: {  	s18 =	sor.u32 @!p1 s19, s17;
	s17 =	smulhi.u32 @!p1 $0xAAAAAAAB, s17;
	_ =	sdelay $0x1  }
0x21: {  	s19 =	smulhi.u32 @!p1 $0xAAAAAAAB, s18;
	s17 =	sshrl.u32 @!p1 s17, $0x8  }
0x22: {  	s20 =	smulhi.u32 @!p1 $0xAAAAAB, s17  }
0x23: {  	s22 =	smul.u32 @!p1 $0x24000, s12  }
0x24: {  	s19 =	sshrl.u32 @!p1 s19, $0x8;
	s20 =	smul.u32 @!p1 $0x180, s20  }
0x25: {  	s21 =	sxor.u32 @!p1 $0xFFFFFFFF, s8;
	s19 =	smul.u32 @!p1 $0x180, s19  }
0x26: {  	s21 =	sshll.u32 @!p1 s21, $0xE;
	s17 =	ssub.s32 @!p1 s17, s20;
	s20 =	smul.u32 @!p1 $0x4800, s11  }
0x27: {  	s18 =	ssub.s32 @!p1 s18, s19;
	s19 =	sadd.s32 @!p1 s2, s22;
	s17 =	smul.u32 @!p1 $0x30, s17  }
0x28: {  	s21 =	sand.u32 @!p1 $0x4000, s21;
	s19 =	sadd.s32 @!p1 s20, s19;
	s20 =	sand.u32 @!p1 $0x7, s18  }
0x29: {  	s18 =	sshrl.u32 @!p1 s18, $0x3;
	s17 =	sadd.s32 @!p1 s17, s19;
	s19 =	sshll.u32 @!p1 s20, $0x12  }
0x2a: {  	s17 =	sadd.s32 @!p1 s18, s17;
	s18 =	sor.u32 @!p1 $0x400, s19;
	s19 =	simm.s32 @!p1 $0xC00  }
0x2b: {  	[tilespmem:s21], [sflag:$0x1] =	stream.strided.gather @!p1 [hbm4b:s17+s18], $0x4000, s19, s18, $0x38;
	[tilespmem:$0x10000] =	vst v63  }
0x2c: {  	p1 =	seq.s32 s8, $0x0  }
0x2d: {  	p2 =	seq.s32 @!p1 s8, $0x1C  }
0x2e: {  	p1 =	por p1, p2  }
.Ltmp2:
0x2f: {  	_ = 	snop;
	(pc) =	sbr.rel @p1 .LBB1_5-.Ltmp2, $1  }
0x30: {  	_ =	sdelay $0x3  }
0x31: {  	s17 =	simm.s32 $0x1  }
0x32: {  	s17 =	simm.s32 @!p0 $0x0  }
0x33: {  	s17 =	sshll.u32 s17, $0xE  }
0x34: {  	s18 =	sor.u32 $0x40, s17  }
0x35: {  	v1 =	vmov s18;
	_ =	sdelay $0x1  }
0x36: {  	_ =	swait.ge [sflag:s4], $0x4000  }
0x37: {  	[sflag:s4] =	ssyncset.done $0x0  }
0x38: {  	s19 =	simm.s32 $0x0;
	[sflag:s4] =	ssyncadd.s32 $0xFFFFC000  }
0x39: {  	s17 =	sor.u32 $0x8070, s17;
	v6 =	vld.idx.msk [tilespmem:v1+s19+$0x30 ss:$0x1], $0xffff  }
0x3a: {  	v0 =	vmov s17;
	v8 =	vld.idx.msk [tilespmem:v1+s19+$0xFFFFFFC0 ss:$0x1], $0xffff  }
0x3b: {  	v7 =	vld.idx.msk [tilespmem:v1+s19+$0xFFFFFFD0 ss:$0x1], $0xffff  }
0x3c: {  	v5 =	vld.idx.msk [tilespmem:v1+s19+$0xFFFFFFE0 ss:$0x1], $0xffff  }
0x3d: {  	v4 =	vld.idx.msk [tilespmem:v1+s19+$0xFFFFFFF0 ss:$0x1], $0xffff  }
0x3e: {  	s31 =	sshll.u32 s8, $0xE;
	v2 =	vld.idx.msk [tilespmem:v1+s19+$0x0 ss:$0x1], $0xffff  }
0x3f: {  	s17 =	sand.u32 $0x4000, s31;
	v3 =	vld.idx.msk [tilespmem:v1+s19+$0x10 ss:$0x1], $0xffff;
	[tilespmem:v0+s19+$0x0 ss:$0x1] =	vst.idx.msk $0xffff, v6  }
0x40: {  	s20 =	simm.s32 $0x400;
	s18 =	simm.s32 $0x80;
	s17 =	sor.u32 $0x8000, s17;
	[tilespmem:v0+s19+$0xFFFFFF90 ss:$0x1] =	vst.idx.msk $0xffff, v8;
	v6 =	vld.idx.msk [tilespmem:v1+s19+$0x20 ss:$0x1], $0xffff  }
.LBB1_3:
0x41: {  	p1 =	sne.s32 s20, $0xFE00;
	v8 =	vld.idx.msk [tilespmem:v1+s18+$0x30 ss:$0x1], $0xffff;
	[tilespmem:v0+s19+$0xFFFFFFA0 ss:$0x1] =	vst.idx.msk $0xffff, v7  }
0x42: {  	v9 =	vld.idx.msk [tilespmem:v1+s18+$0xFFFFFFC0 ss:$0x1], $0xffff;
	[tilespmem:v0+s19+$0xFFFFFFB0 ss:$0x1] =	vst.idx.msk $0xffff, v5  }
0x43: {  	v7 =	vld.idx.msk [tilespmem:v1+s18+$0xFFFFFFD0 ss:$0x1], $0xffff;
	[tilespmem:v0+s19+$0xFFFFFFC0 ss:$0x1] =	vst.idx.msk $0xffff, v4  }
.Ltmp3:
0x44: {  	v5 =	vld.idx.msk [tilespmem:v1+s18+$0xFFFFFFE0 ss:$0x1], $0xffff;
	[tilespmem:v0+s19+$0xFFFFFFD0 ss:$0x1] =	vst.idx.msk $0xffff, v2;
	(pc) =	sbr.rel @p1 .LBB1_3-.Ltmp3, $4  }
0x45: {  	v4 =	vld.idx.msk [tilespmem:v1+s18+$0xFFFFFFF0 ss:$0x1], $0xffff;
	[tilespmem:v0+s19+$0xFFFFFFE0 ss:$0x1] =	vst.idx.msk $0xffff, v3  }
0x46: {  	v2 =	vld.idx.msk [tilespmem:v1+s18+$0x0 ss:$0x1], $0xffff;
	[tilespmem:v0+s19+$0xFFFFFFF0 ss:$0x1] =	vst.idx.msk $0xffff, v6;
	s19 =	smov.u32 s18  }
0x47: {  	v3 =	vld.idx.msk [tilespmem:v1+s19+$0x10 ss:$0x1], $0xffff;
	[tilespmem:v0+s19+$0x0 ss:$0x1] =	vst.idx.msk $0xffff, v8  }
0x48: {  	s18 =	sshra.s32 s20, $0x2;
	s20 =	sadd.s32 $0x200, s20;
	[tilespmem:v0+s19+$0xFFFFFF90 ss:$0x1] =	vst.idx.msk $0xffff, v9;
	v6 =	vld.idx.msk [tilespmem:v1+s19+$0x20 ss:$0x1], $0xffff  }
0x49: {  	_ =	sdelay $0x2  }
0x4a: {  	s20 =	sshrl.u32 s16, $0x3  }
0x4b: {  	s21 =	sshll.u32 s15, $0x3;
	[tilespmem:v0+s19+$0xFFFFFFA0 ss:$0x1] =	vst.idx.msk $0xffff, v7;
	s20 =	smul.u32 $0xC00, s20  }
0x4c: {  	s27 =	sshll.u32 s16, $0x7;
	v56 =	vld.idx.msk [tilespmem:v1+s18+$0x30 ss:$0x1], $0xffff;
	[tilespmem:v0+s19+$0xFFFFFFB0 ss:$0x1] =	vst.idx.msk $0xffff, v5;
	s21 =	sand.u32 $0xFFFFFC00, s21  }
0x4d: {  	v57 =	vld.idx.msk [tilespmem:v1+s18+$0xFFFFFFC0 ss:$0x1], $0xffff;
	s16 =	sand.u32 $0x380, s27;
	[tilespmem:v0+s19+$0xFFFFFFC0 ss:$0x1] =	vst.idx.msk $0xffff, v4;
	s20 =	sadd.s32 s20, s21  }
0x4e: {  	s28 =	sand.u32 $0x7F, s15;
	v58 =	vld.idx.msk [tilespmem:v1+s18+$0xFFFFFFD0 ss:$0x1], $0xffff;
	[tilespmem:v0+s19+$0xFFFFFFD0 ss:$0x1] =	vst.idx.msk $0xffff, v2;
	s16 =	sor.u32 s16, s20  }
0x4f: {  	v59 =	vld.idx.msk [tilespmem:v1+s18+$0xFFFFFFE0 ss:$0x1], $0xffff;
	[tilespmem:v0+s19+$0xFFFFFFE0 ss:$0x1] =	vst.idx.msk $0xffff, v3;
	s15 =	sor.u32 s28, s16;
	s16 =	smulhi.u32 $0xAAAAAAAB, s16  }
0x50: {  	v60 =	vld.idx.msk [tilespmem:v1+s18+$0xFFFFFFF0 ss:$0x1], $0xffff;
	[tilespmem:v0+s19+$0xFFFFFFF0 ss:$0x1] =	vst.idx.msk $0xffff, v6;
	s29 =	smulhi.u32 $0xAAAAAAAB, s15  }
0x51: {  	v61 =	vld.idx.msk [tilespmem:v1+s18+$0x0 ss:$0x1], $0xffff;
	s14 =	smul.u32 $0x24000, s14;
	[tilespmem:v0+s18+$0x0 ss:$0x1] =	vst.idx.msk $0xffff, v56  }
0x52: {  	v62 =	vld.idx.msk [tilespmem:v1+s18+$0x10 ss:$0x1], $0xffff;
	s13 =	smul.u32 $0x180, s13;
	[tilespmem:v0+s18+$0xFFFFFF90 ss:$0x1] =	vst.idx.msk $0xffff, v57;
	s16 =	sshrl.u32 s16, $0x8;
	s30 =	sshrl.u32 s29, $0x8  }
0x53: {  	v63 =	vld.idx.msk [tilespmem:v1+s18+$0x20 ss:$0x1], $0xffff;
	[tilespmem:v0+s18+$0xFFFFFFA0 ss:$0x1] =	vst.idx.msk $0xffff, v58;
	s16 =	sand.u32 $0x7, s16;
	s19 =	smul.u32 $0x180, s30  }
0x54: {  	[tilespmem:v0+s18+$0xFFFFFFB0 ss:$0x1] =	vst.idx.msk $0xffff, v59;
	s16 =	smul.u32 $0x30, s16  }
.Ltmp4:
0x55: {  	s14 =	sadd.s32 s3, s14;
	[tilespmem:v0+s18+$0xFFFFFFC0 ss:$0x1] =	vst.idx.msk $0xffff, v60;
	s15 =	ssub.s32 s15, s19;
	(pc) =	sbr.rel .LBB1_5-.Ltmp4, $4  }
0x56: {  	s13 =	sadd.s32 s13, s14;
	[tilespmem:v0+s18+$0xFFFFFFD0 ss:$0x1] =	vst.idx.msk $0xffff, v61;
	s31 =	sand.u32 $0x7, s15  }
0x57: {  	[tilespmem:v0+s18+$0xFFFFFFE0 ss:$0x1] =	vst.idx.msk $0xffff, v62;
	s13 =	sadd.s32 s16, s13;
	s15 =	sshrl.u32 s15, $0x3;
	s14 =	sshll.u32 s31, $0x12  }
0x58: {  	[tilespmem:v0+s18+$0xFFFFFFF0 ss:$0x1] =	vst.idx.msk $0xffff, v63;
	s13 =	sadd.s32 s15, s13;
	s14 =	sor.u32 $0x80, s14  }
0x59: {  	[hbm4b:s13+s14] =	stream.strided.scatter [tilespmem:s17], [sflag:$0x2], $0x4000, s7, s14, $0x38;
	[tilespmem:$0x10000] =	vst v63  }
.LBB1_6:
0x5a: {  	_ =	sfence.sel $0x180000  }
0x5b: {  	s2 =	simm.s32 $0x1;
	[bflag:$0x0] =	sbarrier.arrive $0xFFFF  }
0x5c: {  	s31 =	simm.s32 $0x2;
	[sflag:s2] =	ssyncpa.u1 $0x1  }
0x5d: {  	[sflag:s31] =	ssyncpa.u1 $0x1  }
0x5e: {  	p0 =	sne.s32 s1, $0x0;
	_ =	strace $0x9000004A  }
0x5f: {  	s0 =	sadd.s32 @!p0 $0x100000, s0;
	[bflag:$0x2] =	sbarrier.arrive $0xFFFF  }
0x60: {  	[sflag:s0] =	ssyncadd.tile.s32 @!p0 $0x1;
	_ =	shalt  }
.Lfunc_end1:
_tile_overlayer_lowered:
.L_overlay_start_2:
0x61: {  	(tag) =	ssettag $0x2  }
0x62: {  	s0 =	rddreg [dreg:$0x0];
	s2 =	stileid.u32  }
0x63: {  	s1 =	rddreg [dreg:$0x1];
	p0 =	sne.s32 s2, $0x0  }
0x64: {  	s3 =	rddreg [dreg:$0x2];
	[bflag:$0x3] =	sbarrier.arrive $0xFFFF;
	s2 =	simm.s32 @!p0 $0x1C01  }
0x65: {  	[timem:s3], [sflag:s2] =	dma.local @!p0 [hbm:s0], s1  }
0x66: {  	s0 =	simm.s32 @!p0 $0x1  }
0x67: {  	_ =	swait.ge @!p0 [sflag:s0], s1  }
0x68: {  	s1 =	ssub.s32 @!p0 $0x0, s1;
	[sflag:s0] =	ssyncset.done @!p0 $0x0  }
0x69: {  	[sflag:s0] =	ssyncadd.s32 @!p0 s1  }
0x6a: {  	[bflag:$0x3] =	sbarrier.arrive $0xFFFF  }
0x6b: {  	_ =	shalt  }

// kernel: sparse-core-data-format-call.3.cloned.1.call-start
scs
called_computation.3_lowered:
.L_overlay_start_0:
0x0: {  	s2 =	sld [smem:$0x3FD9]  }
0x1: {  	s3 =	sld [smem:$0x3FFE];
	_ =	sdelay $0x1  }
0x2: {  	s1 =	srdreg.scid  }
0x3: {  	s0 =	sand.u32 $0x1, s1  }
0x4: {  	s16 =	sshll.u32 s0, $0xA;
	s2 =	sadd.s32 s3, s2  }
0x5: {  	s2 =	sadd.s32 s2, s16  }
0x6: {  	[smem:$0x3FC5] =	sst s2  }
0x7: {  	_ = 	snop  }
0x8: {  	s2 =	sld [smem:$0x3FD0];
	_ =	sdelay $0x2  }
0x9: {  	s4 =	simm.s32 $0xB;
	s5 =	simm.s32 $0x10;
	s17 =	sld [smem:$0x3FC9]  }
0xa: {  	[smem:s5], [sflag:s4] =	dma.local [hbm:s2], $0x1  }
0xb: {  	_ =	swait.eq [sflag:s4], $0x1  }
0xc: {  	[sflag:s4] =	ssyncset.done $0x0  }
0xd: {  	[sflag:s4] =	ssyncadd.s32 $0xFFFFFFFF  }
0xe: {  	s18 =	sld [smem:$0x10];
	(tm) =	ssettm $0x1  }
0xf: {  	s19 =	sld [smem:$0x3FFB];
	_ =	sdelay $0x3  }
0x10: {  	_ =	strace s19  }
0x11: {  	s4 =	sld [smem:$0x3FFC];
	_ =	sdelay $0x3  }
0x12: {  	_ =	strace s4  }
0x13: {  	s4 =	sld [smem:$0x3FFD];
	_ =	sdelay $0x3  }
0x14: {  	_ =	strace s4  }
0x15: {  	_ =	strace $0x8FFFFFFF  }
0x16: {  	s20 =	sld [smem:$0x3FDB];
	_ =	sdelay $0x1  }
0x17: {  	s21 =	simm.s32 $_scs_section_size  }
0x18: {  	s6 =	simm.s32 $_size__tile_overlayer_lowered;
	s7 =	simm.s32 $_tile_overlayer_lowered  }
0x19: {  	s24 =	simm.s32 $0x1BFF;
	s23 =	sshll.u32 s7, $0x1;
	s4 =	sadd.s32 s21, s20  }
0x1a: {  	s8 =	simm.s32 $0x0;
	s22 =	sshll.u32 s6, $0x1;
	s6 =	sadd.s32 s23, s4  }
0x1b: {  	[timem:s8], [sflag:s24] =	dma.local [hbm:s6], s22  }
0x1c: {  	_ =	swait.ge [sflag:s24], s22  }
0x1d: {  	s5 =	ssub.s32 $0x0, s22;
	[sflag:s24] =	ssyncset.done $0x0  }
0x1e: {  	[sflag:s24] =	ssyncadd.s32 s5;
	_ =	sdelay $0x1  }
0x1f: {  	s25 =	simm.s32 $0x1B8B  }
0x20: {  	_ =	swait.ge [sflag:s25], $0x1  }
0x21: {  	[sflag:s25] =	ssyncset.done $0x0  }
0x22: {  	s26 =	simm.s32 $0x1B8E;
	[sflag:s25] =	ssyncadd.s32 $0xFFFFFFFF  }
0x23: {  	s27 =	simm.s32 $execute0_lowered;
	[smem:$0x3FD2] =	sst s26  }
0x24: {  	s5 =	sshll.u32 s27, $0x1;
	_ =	strace $0x80000046;
	[dreg:$0x1] =	wrdreg $0xFFFFFFFF  }
0x25: {  	s28 =	simm.s32 $_size_execute0_lowered;
	s4 =	sadd.s32 s4, s5;
	[dreg:$0x0] =	wrdreg $0x0  }
0x26: {  	s5 =	sshll.u32 s28, $0x1;
	[dreg:$0x2] =	wrdreg s4  }
0x27: {  	[dreg:$0x3] =	wrdreg s5  }
0x28: {  	[dreg:$0x4] =	wrdreg $0xC0  }
0x29: {  	_ =	task [dreg:s8], $0x5FFFF  }
0x2a: {  	[dreg:$0x1] =	wrdreg $0xFFFFFFFF  }
0x2b: {  	[dreg:$0x0] =	wrdreg $0x60  }
0x2c: {  	[dreg:$0x2] =	wrdreg s17  }
0x2d: {  	[dreg:$0x3] =	wrdreg s18  }
0x2e: {  	[dreg:$0x4] =	wrdreg $0xA  }
0x2f: {  	_ =	task.clear_ibuf [dreg:s8], $0x5FFFF;
	_ =	strace $0x90000046  }
0x30: {  	s29 =	simm.s32 $0xA;
	_ =	strace $0x80000048  }
0x31: {  	_ =	swait.ge [sflag:s29], $0x1  }
0x32: {  	[sflag:s29] =	ssyncadd.s32 $0xFFFFFFFF  }
0x33: {  	_ =	strace $0x90000048  }
0x34: {  	_ =	sfence  }
0x35: {  	s30 =	sld [smem:$0x0];
	_ =	sdelay $0x2  }
0x36: {  	s31 =	sshll.u32 s1, $0xD;
	s1 =	sshrl.u32 s1, $0x2  }
0x37: {  	s3 =	sand.u32 $0x4000, s31;
	s1 =	sadd.s32 s1, s30  }
0x38: {  	s0 =	sor.u32 s3, s0;
	s1 =	sshll.u32 s1, $0x11  }
0x39: {  	s0 =	sor.u32 s1, s0  }
0x3a: {  	s0 =	sadd.s32 $0x8F2B, s0  }
0x3b: {  	[sflag:s0] =	ssyncadd.remote.s32 $0x1  }
0x3c: {  	_ =	sfence.sel $0xFFFF  }
0x3d: {  	[dreg:$0x0] =	wrdreg $0xFFFFFFFF;
	(pc) =	sbr.abs _section_cstart, $3  }
0x3e: {  	[dreg:$0x1] =	wrdreg $0xFFFFFFFF  }
0x3f: {  	_ =	task.clear_ibuf [dreg:s8], $0x2FFFF;
	_ =	strace $0x9FFFFFFF  }
0x40: {  	(tm) =	ssettm $0x7FFFFFFF  }
0x41: {  	_ =	shalt  }
tec
execute0_lowered:
.L_overlay_start_1:
0x0: {  	(tag) =	ssettag $0x1  }
0x1: {  	s2 =	rddreg [dreg:$0x0]  }
0x2: {  	s3 =	rddreg [dreg:$0x1]  }
0x3: {  	s0 =	rddreg [dreg:$0x2]  }
0x4: {  	s1 =	srdreg.scid;
	_ =	strace $0x80000047;
	s7 =	simm.s32 $0x2  }
0x5: {  	s15 =	simm.s32 $0x0;
	p0 =	por $0x0, $0x0;
	s13 =	simm.s32 $0x0  }
0x6: {  	s16 =	simm.s32 $0x0;
	s14 =	simm.s32 $0x0;
	s9 =	simm.s32 $0x0  }
.Ltmp0:
0x7: {  	s10 =	simm.s32 $0x0;
	s4 =	sshll.u32 s1, $0x4;
	(pc) =	sbr.rel .LBB1_1-.Ltmp0, $4  }
0x8: {  	s1 =	stileid.u32;
	s5 =	sand.u32 $0x10, s4;
	s4 =	simm.s32 $0x1  }
0x9: {  	s8 =	simm.s32 $0x0;
	s6 =	sor.u32 s1, s5;
	[sflag:s4] =	ssyncpa.u1 $0x0  }
0xa: {  	s5 =	sand.u32 $0x3, s1;
	s6 =	sshrl.u32 s6, $0x2;
	[sflag:s7] =	ssyncpa.u1 $0x0  }
0xb: {  	s7 =	simm.s32 $0xC00;
	s12 =	smov.u32 s5;
	s11 =	smov.u32 s6  }
.LBB1_5:
0xc: {  	s17 =	sadd.s32 $0x80, s9  }
0xd: {  	s13 =	sadd.s32 $0x80, s10;
	s18 =	smov.u32 s10;
	p2 =	sgt.s32 s17, $0x17F  }
0xe: {  	s18 =	smov.u32 @p2 s13  }
0xf: {  	s19 =	smov.u32 s11;
	s13 =	sadd.s32 $0x8, s11;
	p3 =	sgt.s32 s18, $0x17F  }
0x10: {  	s19 =	smov.u32 @p3 s13  }
0x11: {  	s20 =	smov.u32 s12;
	s13 =	sadd.s32 $0x4, s12;
	p4 =	sgt.s32 s19, $0x7  }
0x12: {  	p1 =	slt.u32 s8, $0x2;
	s20 =	smov.u32 @p4 s13  }
0x13: {  	s8 =	sadd.s32 $0x1, s8;
	s17 =	simm.s32 @p2 $0x0;
	p2 =	sgt.s32 s20, $0xB  }
0x14: {  	s15 =	smov.u32 s9;
	s20 =	smov.u32 @p2 s5;
	p2 =	sne.s32 s8, $0x1D  }
.Ltmp1:
0x15: {  	s16 =	smov.u32 s11;
	s21 =	simm.s32 @!p1 $0x2;
	(pc) =	sbr.rel @!p2 .LBB1_6-.Ltmp1, $4  }
0x16: {  	s14 =	smov.u32 s12;
	p0 =	por !p0, !p0;
	_ =	swait.ge @!p1 [sflag:s21], $0x4000  }
0x17: {  	[sflag:s21] =	ssyncset.done @!p1 $0x0;
	s9 =	smov.u32 s17;
	s18 =	simm.s32 @p3 $0x0  }
0x18: {  	[sflag:s21] =	ssyncadd.s32 @!p1 $0xFFFFC000;
	s19 =	smov.u32 @p4 s6;
	s13 =	smov.u32 s10  }
0x19: {  	s10 =	smov.u32 s18;
	s11 =	smov.u32 s19;
	s12 =	smov.u32 s20  }
.LBB1_1:
0x1a: {  	p1 =	sgt.u32 s8, $0x1A  }
0x1b: {  	s17 =	sshrl.u32 @!p1 s10, $0x3  }
0x1c: {  	s18 =	sshll.u32 @!p1 s9, $0x3;
	s17 =	smul.u32 @!p1 $0xC00, s17  }
0x1d: {  	s19 =	sshll.u32 @!p1 s10, $0x7;
	s18 =	sand.u32 @!p1 $0xFFFFFC00, s18  }
0x1e: {  	s17 =	sadd.s32 @!p1 s17, s18;
	s18 =	sand.u32 @!p1 $0x380, s19  }
0x1f: {  	s19 =	sand.u32 @!p1 $0x7F, s9;
	s17 =	sor.u32 @!p1 s18, s17  }
0x20: {  	s18 =	sor.u32 @!p1 s19, s17;
	s17 =	smulhi.u32 @!p1 $0xAAAAAAAB, s17;
	_ =	sdelay $0x1  }
0x21: {  	s19 =	smulhi.u32 @!p1 $0xAAAAAAAB, s18;
	s17 =	sshrl.u32 @!p1 s17, $0x8  }
0x22: {  	s20 =	smulhi.u32 @!p1 $0xAAAAAB, s17  }
0x23: {  	s22 =	smul.u32 @!p1 $0x24000, s12  }
0x24: {  	s19 =	sshrl.u32 @!p1 s19, $0x8;
	s20 =	smul.u32 @!p1 $0x180, s20  }
0x25: {  	s21 =	sxor.u32 @!p1 $0xFFFFFFFF, s8;
	s19 =	smul.u32 @!p1 $0x180, s19  }
0x26: {  	s21 =	sshll.u32 @!p1 s21, $0xE;
	s17 =	ssub.s32 @!p1 s17, s20;
	s20 =	smul.u32 @!p1 $0x4800, s11  }
0x27: {  	s18 =	ssub.s32 @!p1 s18, s19;
	s19 =	sadd.s32 @!p1 s2, s22;
	s17 =	smul.u32 @!p1 $0x30, s17  }
0x28: {  	s21 =	sand.u32 @!p1 $0x4000, s21;
	s19 =	sadd.s32 @!p1 s20, s19;
	s20 =	sand.u32 @!p1 $0x7, s18  }
0x29: {  	s18 =	sshrl.u32 @!p1 s18, $0x3;
	s17 =	sadd.s32 @!p1 s17, s19;
	s19 =	sshll.u32 @!p1 s20, $0x12  }
0x2a: {  	s17 =	sadd.s32 @!p1 s18, s17;
	s18 =	sor.u32 @!p1 $0x400, s19;
	s19 =	simm.s32 @!p1 $0xC00  }
0x2b: {  	[tilespmem:s21], [sflag:$0x1] =	stream.strided.gather @!p1 [hbm4b:s17+s18], $0x4000, s19, s18, $0x38;
	[tilespmem:$0x10000] =	vst v63  }
0x2c: {  	p1 =	seq.s32 s8, $0x0  }
0x2d: {  	p2 =	seq.s32 @!p1 s8, $0x1C  }
0x2e: {  	p1 =	por p1, p2  }
.Ltmp2:
0x2f: {  	_ = 	snop;
	(pc) =	sbr.rel @p1 .LBB1_5-.Ltmp2, $1  }
0x30: {  	_ =	sdelay $0x3  }
0x31: {  	s17 =	simm.s32 $0x1  }
0x32: {  	s17 =	simm.s32 @!p0 $0x0  }
0x33: {  	s17 =	sshll.u32 s17, $0xE  }
0x34: {  	s18 =	sor.u32 $0x40, s17  }
0x35: {  	v1 =	vmov s18;
	_ =	sdelay $0x1  }
0x36: {  	_ =	swait.ge [sflag:s4], $0x4000  }
0x37: {  	[sflag:s4] =	ssyncset.done $0x0  }
0x38: {  	s19 =	simm.s32 $0x0;
	[sflag:s4] =	ssyncadd.s32 $0xFFFFC000  }
0x39: {  	s17 =	sor.u32 $0x8070, s17;
	v6 =	vld.idx.msk [tilespmem:v1+s19+$0x30 ss:$0x1], $0xffff  }
0x3a: {  	v0 =	vmov s17;
	v8 =	vld.idx.msk [tilespmem:v1+s19+$0xFFFFFFC0 ss:$0x1], $0xffff  }
0x3b: {  	v7 =	vld.idx.msk [tilespmem:v1+s19+$0xFFFFFFD0 ss:$0x1], $0xffff  }
0x3c: {  	v5 =	vld.idx.msk [tilespmem:v1+s19+$0xFFFFFFE0 ss:$0x1], $0xffff  }
0x3d: {  	v4 =	vld.idx.msk [tilespmem:v1+s19+$0xFFFFFFF0 ss:$0x1], $0xffff  }
0x3e: {  	s31 =	sshll.u32 s8, $0xE;
	v2 =	vld.idx.msk [tilespmem:v1+s19+$0x0 ss:$0x1], $0xffff  }
0x3f: {  	s17 =	sand.u32 $0x4000, s31;
	v3 =	vld.idx.msk [tilespmem:v1+s19+$0x10 ss:$0x1], $0xffff;
	[tilespmem:v0+s19+$0x0 ss:$0x1] =	vst.idx.msk $0xffff, v6  }
0x40: {  	s20 =	simm.s32 $0x400;
	s18 =	simm.s32 $0x80;
	s17 =	sor.u32 $0x8000, s17;
	[tilespmem:v0+s19+$0xFFFFFF90 ss:$0x1] =	vst.idx.msk $0xffff, v8;
	v6 =	vld.idx.msk [tilespmem:v1+s19+$0x20 ss:$0x1], $0xffff  }
.LBB1_3:
0x41: {  	p1 =	sne.s32 s20, $0xFE00;
	v8 =	vld.idx.msk [tilespmem:v1+s18+$0x30 ss:$0x1], $0xffff;
	[tilespmem:v0+s19+$0xFFFFFFA0 ss:$0x1] =	vst.idx.msk $0xffff, v7  }
0x42: {  	v9 =	vld.idx.msk [tilespmem:v1+s18+$0xFFFFFFC0 ss:$0x1], $0xffff;
	[tilespmem:v0+s19+$0xFFFFFFB0 ss:$0x1] =	vst.idx.msk $0xffff, v5  }
0x43: {  	v7 =	vld.idx.msk [tilespmem:v1+s18+$0xFFFFFFD0 ss:$0x1], $0xffff;
	[tilespmem:v0+s19+$0xFFFFFFC0 ss:$0x1] =	vst.idx.msk $0xffff, v4  }
.Ltmp3:
0x44: {  	v5 =	vld.idx.msk [tilespmem:v1+s18+$0xFFFFFFE0 ss:$0x1], $0xffff;
	[tilespmem:v0+s19+$0xFFFFFFD0 ss:$0x1] =	vst.idx.msk $0xffff, v2;
	(pc) =	sbr.rel @p1 .LBB1_3-.Ltmp3, $4  }
0x45: {  	v4 =	vld.idx.msk [tilespmem:v1+s18+$0xFFFFFFF0 ss:$0x1], $0xffff;
	[tilespmem:v0+s19+$0xFFFFFFE0 ss:$0x1] =	vst.idx.msk $0xffff, v3  }
0x46: {  	v2 =	vld.idx.msk [tilespmem:v1+s18+$0x0 ss:$0x1], $0xffff;
	[tilespmem:v0+s19+$0xFFFFFFF0 ss:$0x1] =	vst.idx.msk $0xffff, v6;
	s19 =	smov.u32 s18  }
0x47: {  	v3 =	vld.idx.msk [tilespmem:v1+s19+$0x10 ss:$0x1], $0xffff;
	[tilespmem:v0+s19+$0x0 ss:$0x1] =	vst.idx.msk $0xffff, v8  }
0x48: {  	s18 =	sshra.s32 s20, $0x2;
	s20 =	sadd.s32 $0x200, s20;
	[tilespmem:v0+s19+$0xFFFFFF90 ss:$0x1] =	vst.idx.msk $0xffff, v9;
	v6 =	vld.idx.msk [tilespmem:v1+s19+$0x20 ss:$0x1], $0xffff  }
0x49: {  	_ =	sdelay $0x2  }
0x4a: {  	s20 =	sshrl.u32 s16, $0x3  }
0x4b: {  	s21 =	sshll.u32 s15, $0x3;
	[tilespmem:v0+s19+$0xFFFFFFA0 ss:$0x1] =	vst.idx.msk $0xffff, v7;
	s20 =	smul.u32 $0xC00, s20  }
0x4c: {  	s27 =	sshll.u32 s16, $0x7;
	v56 =	vld.idx.msk [tilespmem:v1+s18+$0x30 ss:$0x1], $0xffff;
	[tilespmem:v0+s19+$0xFFFFFFB0 ss:$0x1] =	vst.idx.msk $0xffff, v5;
	s21 =	sand.u32 $0xFFFFFC00, s21  }
0x4d: {  	v57 =	vld.idx.msk [tilespmem:v1+s18+$0xFFFFFFC0 ss:$0x1], $0xffff;
	s16 =	sand.u32 $0x380, s27;
	[tilespmem:v0+s19+$0xFFFFFFC0 ss:$0x1] =	vst.idx.msk $0xffff, v4;
	s20 =	sadd.s32 s20, s21  }
0x4e: {  	s28 =	sand.u32 $0x7F, s15;
	v58 =	vld.idx.msk [tilespmem:v1+s18+$0xFFFFFFD0 ss:$0x1], $0xffff;
	[tilespmem:v0+s19+$0xFFFFFFD0 ss:$0x1] =	vst.idx.msk $0xffff, v2;
	s16 =	sor.u32 s16, s20  }
0x4f: {  	v59 =	vld.idx.msk [tilespmem:v1+s18+$0xFFFFFFE0 ss:$0x1], $0xffff;
	[tilespmem:v0+s19+$0xFFFFFFE0 ss:$0x1] =	vst.idx.msk $0xffff, v3;
	s15 =	sor.u32 s28, s16;
	s16 =	smulhi.u32 $0xAAAAAAAB, s16  }
0x50: {  	v60 =	vld.idx.msk [tilespmem:v1+s18+$0xFFFFFFF0 ss:$0x1], $0xffff;
	[tilespmem:v0+s19+$0xFFFFFFF0 ss:$0x1] =	vst.idx.msk $0xffff, v6;
	s29 =	smulhi.u32 $0xAAAAAAAB, s15  }
0x51: {  	v61 =	vld.idx.msk [tilespmem:v1+s18+$0x0 ss:$0x1], $0xffff;
	s14 =	smul.u32 $0x24000, s14;
	[tilespmem:v0+s18+$0x0 ss:$0x1] =	vst.idx.msk $0xffff, v56  }
0x52: {  	v62 =	vld.idx.msk [tilespmem:v1+s18+$0x10 ss:$0x1], $0xffff;
	s13 =	smul.u32 $0x180, s13;
	[tilespmem:v0+s18+$0xFFFFFF90 ss:$0x1] =	vst.idx.msk $0xffff, v57;
	s16 =	sshrl.u32 s16, $0x8;
	s30 =	sshrl.u32 s29, $0x8  }
0x53: {  	v63 =	vld.idx.msk [tilespmem:v1+s18+$0x20 ss:$0x1], $0xffff;
	[tilespmem:v0+s18+$0xFFFFFFA0 ss:$0x1] =	vst.idx.msk $0xffff, v58;
	s16 =	sand.u32 $0x7, s16;
	s19 =	smul.u32 $0x180, s30  }
0x54: {  	[tilespmem:v0+s18+$0xFFFFFFB0 ss:$0x1] =	vst.idx.msk $0xffff, v59;
	s16 =	smul.u32 $0x30, s16  }
.Ltmp4:
0x55: {  	s14 =	sadd.s32 s3, s14;
	[tilespmem:v0+s18+$0xFFFFFFC0 ss:$0x1] =	vst.idx.msk $0xffff, v60;
	s15 =	ssub.s32 s15, s19;
	(pc) =	sbr.rel .LBB1_5-.Ltmp4, $4  }
0x56: {  	s13 =	sadd.s32 s13, s14;
	[tilespmem:v0+s18+$0xFFFFFFD0 ss:$0x1] =	vst.idx.msk $0xffff, v61;
	s31 =	sand.u32 $0x7, s15  }
0x57: {  	[tilespmem:v0+s18+$0xFFFFFFE0 ss:$0x1] =	vst.idx.msk $0xffff, v62;
	s13 =	sadd.s32 s16, s13;
	s15 =	sshrl.u32 s15, $0x3;
	s14 =	sshll.u32 s31, $0x12  }
0x58: {  	[tilespmem:v0+s18+$0xFFFFFFF0 ss:$0x1] =	vst.idx.msk $0xffff, v63;
	s13 =	sadd.s32 s15, s13;
	s14 =	sor.u32 $0x80, s14  }
0x59: {  	[hbm4b:s13+s14] =	stream.strided.scatter [tilespmem:s17], [sflag:$0x2], $0x4000, s7, s14, $0x38;
	[tilespmem:$0x10000] =	vst v63  }
.LBB1_6:
0x5a: {  	_ =	sfence.sel $0x180000  }
0x5b: {  	s2 =	simm.s32 $0x1;
	[bflag:$0x0] =	sbarrier.arrive $0xFFFF  }
0x5c: {  	s31 =	simm.s32 $0x2;
	[sflag:s2] =	ssyncpa.u1 $0x1  }
0x5d: {  	[sflag:s31] =	ssyncpa.u1 $0x1  }
0x5e: {  	p0 =	sne.s32 s1, $0x0;
	_ =	strace $0x90000047  }
0x5f: {  	s0 =	sadd.s32 @!p0 $0x100000, s0;
	[bflag:$0x2] =	sbarrier.arrive $0xFFFF  }
0x60: {  	[sflag:s0] =	ssyncadd.tile.s32 @!p0 $0x1;
	_ =	shalt  }
.Lfunc_end1:
_tile_overlayer_lowered:
.L_overlay_start_2:
0x61: {  	(tag) =	ssettag $0x2  }
0x62: {  	s0 =	rddreg [dreg:$0x0];
	s2 =	stileid.u32  }
0x63: {  	s1 =	rddreg [dreg:$0x1];
	p0 =	sne.s32 s2, $0x0  }
0x64: {  	s3 =	rddreg [dreg:$0x2];
	[bflag:$0x3] =	sbarrier.arrive $0xFFFF;
	s2 =	simm.s32 @!p0 $0x1C01  }
0x65: {  	[timem:s3], [sflag:s2] =	dma.local @!p0 [hbm:s0], s1  }
0x66: {  	s0 =	simm.s32 @!p0 $0x1  }
0x67: {  	_ =	swait.ge @!p0 [sflag:s0], s1  }
0x68: {  	s1 =	ssub.s32 @!p0 $0x0, s1;
	[sflag:s0] =	ssyncset.done @!p0 $0x0  }
0x69: {  	[sflag:s0] =	ssyncadd.s32 @!p0 s1  }
0x6a: {  	[bflag:$0x3] =	sbarrier.arrive $0xFFFF  }
0x6b: {  	_ =	shalt  }

// kernel: sparse-core-data-format-call.cloned.1.call-start
scs
called_computation_lowered:
.L_overlay_start_0:
0x0: {  	s2 =	sld [smem:$0x3FD9]  }
0x1: {  	s3 =	sld [smem:$0x3FFE];
	_ =	sdelay $0x1  }
0x2: {  	s1 =	srdreg.scid  }
0x3: {  	s0 =	sand.u32 $0x1, s1  }
0x4: {  	s15 =	sshll.u32 s0, $0xA;
	s2 =	sadd.s32 s3, s2  }
0x5: {  	s2 =	sadd.s32 s2, s15  }
0x6: {  	[smem:$0x3FC5] =	sst s2  }
0x7: {  	_ = 	snop  }
0x8: {  	s2 =	sld [smem:$0x3FD0];
	_ =	sdelay $0x2  }
0x9: {  	s16 =	simm.s32 $0xB;
	s4 =	simm.s32 $0x10  }
0xa: {  	[smem:s4], [sflag:s16] =	dma.local [hbm:s2], $0x1  }
0xb: {  	_ =	swait.eq [sflag:s16], $0x1  }
0xc: {  	[sflag:s16] =	ssyncset.done $0x0  }
0xd: {  	[sflag:s16] =	ssyncadd.s32 $0xFFFFFFFF  }
0xe: {  	s17 =	sld [smem:$0x11];
	(tm) =	ssettm $0x1  }
0xf: {  	s18 =	sld [smem:$0x3FFB];
	_ =	sdelay $0x3  }
0x10: {  	_ =	strace s18  }
0x11: {  	s3 =	sld [smem:$0x3FFC];
	_ =	sdelay $0x3  }
0x12: {  	_ =	strace s3  }
0x13: {  	s3 =	sld [smem:$0x3FFD];
	_ =	sdelay $0x3  }
0x14: {  	_ =	strace s3  }
0x15: {  	_ =	strace $0x8FFFFFFF  }
0x16: {  	s19 =	sld [smem:$0x3FDB];
	_ =	sdelay $0x1  }
0x17: {  	s20 =	simm.s32 $_scs_section_size  }
0x18: {  	s5 =	simm.s32 $_size__tile_overlayer_lowered;
	s6 =	simm.s32 $_tile_overlayer_lowered  }
0x19: {  	s23 =	simm.s32 $0x1BFF;
	s22 =	sshll.u32 s6, $0x1;
	s3 =	sadd.s32 s20, s19  }
0x1a: {  	s7 =	simm.s32 $0x0;
	s21 =	sshll.u32 s5, $0x1;
	s5 =	sadd.s32 s22, s3  }
0x1b: {  	[timem:s7], [sflag:s23] =	dma.local [hbm:s5], s21  }
0x1c: {  	_ =	swait.ge [sflag:s23], s21  }
0x1d: {  	s4 =	ssub.s32 $0x0, s21;
	[sflag:s23] =	ssyncset.done $0x0  }
0x1e: {  	[sflag:s23] =	ssyncadd.s32 s4;
	_ =	sdelay $0x1  }
0x1f: {  	s24 =	simm.s32 $0x1B8B  }
0x20: {  	_ =	swait.ge [sflag:s24], $0x1  }
0x21: {  	[sflag:s24] =	ssyncset.done $0x0  }
0x22: {  	s26 =	simm.s32 $0x1B8E;
	s25 =	sld [smem:$0x3FFE];
	[sflag:s24] =	ssyncadd.s32 $0xFFFFFFFF  }
0x23: {  	s27 =	simm.s32 $execute0_lowered;
	[smem:$0x3FD2] =	sst s26  }
0x24: {  	s5 =	sshll.u32 s27, $0x1;
	_ =	strace $0x8000004C;
	[dreg:$0x1] =	wrdreg $0xFFFFFFFF  }
0x25: {  	s28 =	simm.s32 $_size_execute0_lowered;
	s3 =	sadd.s32 s3, s5;
	[dreg:$0x0] =	wrdreg $0x0  }
0x26: {  	s5 =	sshll.u32 s28, $0x1;
	[dreg:$0x2] =	wrdreg s3  }
0x27: {  	[dreg:$0x3] =	wrdreg s5  }
0x28: {  	[dreg:$0x4] =	wrdreg $0xC0  }
0x29: {  	_ =	task [dreg:s7], $0x5FFFF  }
0x2a: {  	[dreg:$0x1] =	wrdreg $0xFFFFFFFF  }
0x2b: {  	[dreg:$0x0] =	wrdreg $0x60  }
0x2c: {  	[dreg:$0x2] =	wrdreg s25  }
0x2d: {  	[dreg:$0x3] =	wrdreg s17  }
0x2e: {  	[dreg:$0x4] =	wrdreg $0x9  }
0x2f: {  	_ =	task.clear_ibuf [dreg:s7], $0x5FFFF;
	_ =	strace $0x9000004C  }
0x30: {  	s29 =	simm.s32 $0x9;
	_ =	strace $0x8000004E  }
0x31: {  	_ =	swait.ge [sflag:s29], $0x1  }
0x32: {  	[sflag:s29] =	ssyncadd.s32 $0xFFFFFFFF  }
0x33: {  	_ =	strace $0x9000004E  }
0x34: {  	_ =	sfence  }
0x35: {  	s30 =	sld [smem:$0x0];
	_ =	sdelay $0x2  }
0x36: {  	s31 =	sshll.u32 s1, $0xD;
	s1 =	sshrl.u32 s1, $0x2  }
0x37: {  	s3 =	sand.u32 $0x4000, s31;
	s1 =	sadd.s32 s1, s30  }
0x38: {  	s0 =	sor.u32 s3, s0;
	s1 =	sshll.u32 s1, $0x11  }
0x39: {  	s0 =	sor.u32 s1, s0  }
0x3a: {  	s0 =	sadd.s32 $0x8F2B, s0  }
0x3b: {  	[sflag:s0] =	ssyncadd.remote.s32 $0x1  }
0x3c: {  	_ =	sfence.sel $0xFFFF  }
0x3d: {  	[dreg:$0x0] =	wrdreg $0xFFFFFFFF;
	(pc) =	sbr.abs _section_cstart, $3  }
0x3e: {  	[dreg:$0x1] =	wrdreg $0xFFFFFFFF  }
0x3f: {  	_ =	task.clear_ibuf [dreg:s7], $0x2FFFF;
	_ =	strace $0x9FFFFFFF  }
0x40: {  	(tm) =	ssettm $0x7FFFFFFF  }
0x41: {  	_ =	shalt  }
tec
execute0_lowered:
.L_overlay_start_1:
0x0: {  	(tag) =	ssettag $0x1  }
0x1: {  	s1 =	rddreg [dreg:$0x0]  }
0x2: {  	s2 =	rddreg [dreg:$0x1]  }
0x3: {  	s0 =	rddreg [dreg:$0x2];
	s4 =	srdreg.scid  }
0x4: {  	_ =	strace $0x8000004D;
	s7 =	simm.s32 $0x2;
	s15 =	simm.s32 $0x0  }
0x5: {  	p0 =	por $0x0, $0x0;
	s13 =	simm.s32 $0x0;
	s16 =	simm.s32 $0x0  }
0x6: {  	s14 =	simm.s32 $0x0;
	s9 =	simm.s32 $0x0;
	s11 =	simm.s32 $0x0  }
.Ltmp0:
0x7: {  	s3 =	sadd.s32 $0x1400, s1;
	s4 =	sshll.u32 s4, $0x4;
	(pc) =	sbr.rel .LBB1_1-.Ltmp0, $4  }
0x8: {  	s1 =	stileid.u32;
	s5 =	sand.u32 $0x10, s4;
	s4 =	simm.s32 $0x1  }
0x9: {  	s8 =	simm.s32 $0x0;
	s6 =	sor.u32 s1, s5;
	[sflag:s4] =	ssyncpa.u1 $0x0  }
0xa: {  	s5 =	sand.u32 $0x3, s1;
	s6 =	sshrl.u32 s6, $0x2;
	[sflag:s7] =	ssyncpa.u1 $0x0  }
0xb: {  	s7 =	simm.s32 $0xC00;
	s12 =	smov.u32 s5;
	s10 =	smov.u32 s6  }
.LBB1_5:
0xc: {  	s17 =	sadd.s32 $0x80, s9  }
0xd: {  	s13 =	sadd.s32 $0x8, s10;
	s18 =	smov.u32 s10;
	p2 =	sgt.s32 s17, $0x17F  }
0xe: {  	s18 =	smov.u32 @p2 s13  }
0xf: {  	s19 =	smov.u32 s11;
	s13 =	sadd.s32 $0x80, s11;
	p3 =	sgt.s32 s18, $0x7  }
0x10: {  	s19 =	smov.u32 @p3 s13  }
0x11: {  	s20 =	smov.u32 s12;
	s13 =	sadd.s32 $0x4, s12;
	p4 =	sgt.s32 s19, $0x17F  }
0x12: {  	p1 =	slt.u32 s8, $0x2;
	s20 =	smov.u32 @p4 s13  }
0x13: {  	s8 =	sadd.s32 $0x1, s8;
	s17 =	simm.s32 @p2 $0x0;
	p2 =	sgt.s32 s20, $0xB  }
0x14: {  	s15 =	smov.u32 s9;
	s20 =	smov.u32 @p2 s5;
	p2 =	sne.s32 s8, $0x1D  }
.Ltmp1:
0x15: {  	s16 =	smov.u32 s11;
	s21 =	simm.s32 @!p1 $0x2;
	(pc) =	sbr.rel @!p2 .LBB1_6-.Ltmp1, $4  }
0x16: {  	s14 =	smov.u32 s12;
	p0 =	por !p0, !p0;
	_ =	swait.ge @!p1 [sflag:s21], $0x4000  }
0x17: {  	[sflag:s21] =	ssyncset.done @!p1 $0x0;
	s9 =	smov.u32 s17;
	s18 =	smov.u32 @p3 s6  }
0x18: {  	[sflag:s21] =	ssyncadd.s32 @!p1 $0xFFFFC000;
	s19 =	simm.s32 @p4 $0x0;
	s13 =	smov.u32 s10  }
0x19: {  	s10 =	smov.u32 s18;
	s11 =	smov.u32 s19;
	s12 =	smov.u32 s20  }
.LBB1_1:
0x1a: {  	p1 =	sgt.u32 s8, $0x1A  }
0x1b: {  	s17 =	sshrl.u32 @!p1 s10, $0x3  }
0x1c: {  	s18 =	sshll.u32 @!p1 s9, $0x3;
	s17 =	smul.u32 @!p1 $0xC00, s17  }
0x1d: {  	s19 =	sshll.u32 @!p1 s10, $0x7;
	s18 =	sand.u32 @!p1 $0xFFFFFC00, s18  }
0x1e: {  	s17 =	sadd.s32 @!p1 s17, s18;
	s18 =	sand.u32 @!p1 $0x380, s19  }
0x1f: {  	s19 =	sand.u32 @!p1 $0x7F, s9;
	s17 =	sor.u32 @!p1 s18, s17  }
0x20: {  	s18 =	sor.u32 @!p1 s19, s17  }
0x21: {  	s19 =	smulhi.u32 @!p1 $0xAAAAAAAB, s18  }
0x22: {  	s17 =	smulhi.u32 @!p1 $0xAAAAAAAB, s17  }
0x23: {  	s21 =	smul.u32 @!p1 $0x24000, s12;
	s19 =	sshrl.u32 @!p1 s19, $0x8  }
0x24: {  	s20 =	sxor.u32 @!p1 $0xFFFFFFFF, s8;
	s17 =	sshrl.u32 @!p1 s17, $0x8;
	s19 =	smul.u32 @!p1 $0x180, s19  }
0x25: {  	s22 =	smul.u32 @!p1 $0x180, s11;
	s20 =	sshll.u32 @!p1 s20, $0xE;
	s17 =	sand.u32 @!p1 $0x7, s17  }
0x26: {  	s17 =	smul.u32 @!p1 $0x30, s17;
	s18 =	ssub.s32 @!p1 s18, s19;
	s19 =	sadd.s32 @!p1 s3, s21  }
0x27: {  	s20 =	sand.u32 @!p1 $0x4000, s20;
	s19 =	sadd.s32 @!p1 s22, s19;
	s21 =	sand.u32 @!p1 $0x7, s18  }
0x28: {  	s18 =	sshrl.u32 @!p1 s18, $0x3;
	s17 =	sadd.s32 @!p1 s17, s19;
	s19 =	sshll.u32 @!p1 s21, $0x12  }
0x29: {  	s17 =	sadd.s32 @!p1 s18, s17;
	s18 =	sor.u32 @!p1 $0x80, s19;
	s19 =	simm.s32 @!p1 $0xC00  }
0x2a: {  	[tilespmem:s20], [sflag:$0x1] =	stream.strided.gather @!p1 [hbm4b:s17+s18], $0x4000, s19, s18, $0x38;
	[tilespmem:$0x10000] =	vst v63  }
0x2b: {  	p1 =	seq.s32 s8, $0x0  }
0x2c: {  	p2 =	seq.s32 @!p1 s8, $0x1C  }
0x2d: {  	p1 =	por p1, p2  }
.Ltmp2:
0x2e: {  	_ = 	snop;
	(pc) =	sbr.rel @p1 .LBB1_5-.Ltmp2, $1  }
0x2f: {  	_ =	sdelay $0x3  }
0x30: {  	s17 =	simm.s32 $0x1  }
0x31: {  	s17 =	simm.s32 @!p0 $0x0  }
0x32: {  	s17 =	sshll.u32 s17, $0xE  }
0x33: {  	s18 =	sor.u32 $0x70, s17  }
0x34: {  	v1 =	vmov s18;
	_ =	sdelay $0x1  }
0x35: {  	_ =	swait.ge [sflag:s4], $0x4000  }
0x36: {  	[sflag:s4] =	ssyncset.done $0x0  }
0x37: {  	s19 =	simm.s32 $0x0;
	[sflag:s4] =	ssyncadd.s32 $0xFFFFC000  }
0x38: {  	s17 =	sor.u32 $0x8040, s17;
	v6 =	vld.idx.msk [tilespmem:v1+s19+$0x0 ss:$0x1], $0xffff  }
0x39: {  	v0 =	vmov s17;
	v8 =	vld.idx.msk [tilespmem:v1+s19+$0xFFFFFF90 ss:$0x1], $0xffff  }
0x3a: {  	v7 =	vld.idx.msk [tilespmem:v1+s19+$0xFFFFFFA0 ss:$0x1], $0xffff  }
0x3b: {  	v5 =	vld.idx.msk [tilespmem:v1+s19+$0xFFFFFFB0 ss:$0x1], $0xffff  }
0x3c: {  	v4 =	vld.idx.msk [tilespmem:v1+s19+$0xFFFFFFC0 ss:$0x1], $0xffff  }
0x3d: {  	s31 =	sshll.u32 s8, $0xE;
	v2 =	vld.idx.msk [tilespmem:v1+s19+$0xFFFFFFD0 ss:$0x1], $0xffff  }
0x3e: {  	s17 =	sand.u32 $0x4000, s31;
	v3 =	vld.idx.msk [tilespmem:v1+s19+$0xFFFFFFE0 ss:$0x1], $0xffff;
	[tilespmem:v0+s19+$0x30 ss:$0x1] =	vst.idx.msk $0xffff, v6  }
0x3f: {  	s20 =	simm.s32 $0x400;
	s18 =	simm.s32 $0x80;
	s17 =	sor.u32 $0x8000, s17;
	[tilespmem:v0+s19+$0xFFFFFFC0 ss:$0x1] =	vst.idx.msk $0xffff, v8;
	v6 =	vld.idx.msk [tilespmem:v1+s19+$0xFFFFFFF0 ss:$0x1], $0xffff  }
.LBB1_3:
0x40: {  	p1 =	sne.s32 s20, $0xFE00;
	v8 =	vld.idx.msk [tilespmem:v1+s18+$0x0 ss:$0x1], $0xffff;
	[tilespmem:v0+s19+$0xFFFFFFD0 ss:$0x1] =	vst.idx.msk $0xffff, v7  }
0x41: {  	v9 =	vld.idx.msk [tilespmem:v1+s18+$0xFFFFFF90 ss:$0x1], $0xffff;
	[tilespmem:v0+s19+$0xFFFFFFE0 ss:$0x1] =	vst.idx.msk $0xffff, v5  }
0x42: {  	v7 =	vld.idx.msk [tilespmem:v1+s18+$0xFFFFFFA0 ss:$0x1], $0xffff;
	[tilespmem:v0+s19+$0xFFFFFFF0 ss:$0x1] =	vst.idx.msk $0xffff, v4  }
.Ltmp3:
0x43: {  	v5 =	vld.idx.msk [tilespmem:v1+s18+$0xFFFFFFB0 ss:$0x1], $0xffff;
	[tilespmem:v0+s19+$0x0 ss:$0x1] =	vst.idx.msk $0xffff, v2;
	(pc) =	sbr.rel @p1 .LBB1_3-.Ltmp3, $4  }
0x44: {  	v4 =	vld.idx.msk [tilespmem:v1+s18+$0xFFFFFFC0 ss:$0x1], $0xffff;
	[tilespmem:v0+s19+$0x10 ss:$0x1] =	vst.idx.msk $0xffff, v3  }
0x45: {  	v2 =	vld.idx.msk [tilespmem:v1+s18+$0xFFFFFFD0 ss:$0x1], $0xffff;
	[tilespmem:v0+s19+$0x20 ss:$0x1] =	vst.idx.msk $0xffff, v6;
	s19 =	smov.u32 s18  }
0x46: {  	v3 =	vld.idx.msk [tilespmem:v1+s19+$0xFFFFFFE0 ss:$0x1], $0xffff;
	[tilespmem:v0+s19+$0x30 ss:$0x1] =	vst.idx.msk $0xffff, v8  }
0x47: {  	s18 =	sshra.s32 s20, $0x2;
	s20 =	sadd.s32 $0x200, s20;
	[tilespmem:v0+s19+$0xFFFFFFC0 ss:$0x1] =	vst.idx.msk $0xffff, v9;
	v6 =	vld.idx.msk [tilespmem:v1+s19+$0xFFFFFFF0 ss:$0x1], $0xffff  }
0x48: {  	s20 =	sshrl.u32 s16, $0x3  }
0x49: {  	s21 =	sshll.u32 s15, $0x3;
	s20 =	smul.u32 $0xC00, s20  }
0x4a: {  	s26 =	sshll.u32 s16, $0x7;
	s21 =	sand.u32 $0xFFFFFC00, s21  }
0x4b: {  	s16 =	sand.u32 $0x380, s26;
	s20 =	sadd.s32 s20, s21  }
0x4c: {  	[tilespmem:v0+s19+$0xFFFFFFD0 ss:$0x1] =	vst.idx.msk $0xffff, v7;
	s27 =	sand.u32 $0x7F, s15;
	s16 =	sor.u32 s16, s20  }
0x4d: {  	v56 =	vld.idx.msk [tilespmem:v1+s18+$0x0 ss:$0x1], $0xffff;
	[tilespmem:v0+s19+$0xFFFFFFE0 ss:$0x1] =	vst.idx.msk $0xffff, v5;
	s15 =	sor.u32 s27, s16;
	s16 =	smulhi.u32 $0xAAAAAAAB, s16  }
0x4e: {  	v57 =	vld.idx.msk [tilespmem:v1+s18+$0xFFFFFF90 ss:$0x1], $0xffff;
	[tilespmem:v0+s19+$0xFFFFFFF0 ss:$0x1] =	vst.idx.msk $0xffff, v4  }
0x4f: {  	v58 =	vld.idx.msk [tilespmem:v1+s18+$0xFFFFFFA0 ss:$0x1], $0xffff;
	s14 =	smul.u32 $0x24000, s14;
	[tilespmem:v0+s19+$0x0 ss:$0x1] =	vst.idx.msk $0xffff, v2;
	s16 =	sshrl.u32 s16, $0x8  }
0x50: {  	v59 =	vld.idx.msk [tilespmem:v1+s18+$0xFFFFFFB0 ss:$0x1], $0xffff;
	[tilespmem:v0+s19+$0x10 ss:$0x1] =	vst.idx.msk $0xffff, v3;
	s30 =	smulhi.u32 $0xAAAAAB, s16  }
0x51: {  	v60 =	vld.idx.msk [tilespmem:v1+s18+$0xFFFFFFC0 ss:$0x1], $0xffff;
	[tilespmem:v0+s19+$0x20 ss:$0x1] =	vst.idx.msk $0xffff, v6;
	s28 =	smulhi.u32 $0xAAAAAAAB, s15  }
0x52: {  	v61 =	vld.idx.msk [tilespmem:v1+s18+$0xFFFFFFD0 ss:$0x1], $0xffff;
	[tilespmem:v0+s18+$0x30 ss:$0x1] =	vst.idx.msk $0xffff, v56;
	s20 =	smul.u32 $0x180, s30  }
0x53: {  	v62 =	vld.idx.msk [tilespmem:v1+s18+$0xFFFFFFE0 ss:$0x1], $0xffff;
	s13 =	smul.u32 $0x4800, s13;
	[tilespmem:v0+s18+$0xFFFFFFC0 ss:$0x1] =	vst.idx.msk $0xffff, v57;
	s29 =	sshrl.u32 s28, $0x8  }
0x54: {  	v63 =	vld.idx.msk [tilespmem:v1+s18+$0xFFFFFFF0 ss:$0x1], $0xffff;
	[tilespmem:v0+s18+$0xFFFFFFD0 ss:$0x1] =	vst.idx.msk $0xffff, v58;
	s19 =	smul.u32 $0x180, s29;
	s16 =	ssub.s32 s16, s20  }
0x55: {  	[tilespmem:v0+s18+$0xFFFFFFE0 ss:$0x1] =	vst.idx.msk $0xffff, v59;
	s16 =	smul.u32 $0x30, s16  }
.Ltmp4:
0x56: {  	s14 =	sadd.s32 s2, s14;
	[tilespmem:v0+s18+$0xFFFFFFF0 ss:$0x1] =	vst.idx.msk $0xffff, v60;
	s15 =	ssub.s32 s15, s19;
	(pc) =	sbr.rel .LBB1_5-.Ltmp4, $4  }
0x57: {  	s13 =	sadd.s32 s13, s14;
	[tilespmem:v0+s18+$0x0 ss:$0x1] =	vst.idx.msk $0xffff, v61;
	s31 =	sand.u32 $0x7, s15  }
0x58: {  	[tilespmem:v0+s18+$0x10 ss:$0x1] =	vst.idx.msk $0xffff, v62;
	s15 =	sshrl.u32 s15, $0x3;
	s14 =	sshll.u32 s31, $0x12;
	s13 =	sadd.s32 s16, s13  }
0x59: {  	[tilespmem:v0+s18+$0x20 ss:$0x1] =	vst.idx.msk $0xffff, v63;
	s14 =	sor.u32 $0x400, s14;
	s13 =	sadd.s32 s15, s13  }
0x5a: {  	[hbm4b:s13+s14] =	stream.strided.scatter [tilespmem:s17], [sflag:$0x2], $0x4000, s7, s14, $0x38;
	[tilespmem:$0x10000] =	vst v63  }
.LBB1_6:
0x5b: {  	_ =	sfence.sel $0x180000  }
0x5c: {  	s2 =	simm.s32 $0x1;
	[bflag:$0x0] =	sbarrier.arrive $0xFFFF  }
0x5d: {  	s31 =	simm.s32 $0x2;
	[sflag:s2] =	ssyncpa.u1 $0x1  }
0x5e: {  	[sflag:s31] =	ssyncpa.u1 $0x1  }
0x5f: {  	p0 =	sne.s32 s1, $0x0;
	_ =	strace $0x9000004D  }
0x60: {  	s0 =	sadd.s32 @!p0 $0x100000, s0;
	[bflag:$0x2] =	sbarrier.arrive $0xFFFF  }
0x61: {  	[sflag:s0] =	ssyncadd.tile.s32 @!p0 $0x1;
	_ =	shalt  }
.Lfunc_end1:
_tile_overlayer_lowered:
.L_overlay_start_2:
0x62: {  	(tag) =	ssettag $0x2  }
0x63: {  	s0 =	rddreg [dreg:$0x0];
	s2 =	stileid.u32  }
0x64: {  	s1 =	rddreg [dreg:$0x1];
	p0 =	sne.s32 s2, $0x0  }
0x65: {  	s3 =	rddreg [dreg:$0x2];
	[bflag:$0x3] =	sbarrier.arrive $0xFFFF;
	s2 =	simm.s32 @!p0 $0x1C01  }
0x66: {  	[timem:s3], [sflag:s2] =	dma.local @!p0 [hbm:s0], s1  }
0x67: {  	s0 =	simm.s32 @!p0 $0x1  }
0x68: {  	_ =	swait.ge @!p0 [sflag:s0], s1  }
0x69: {  	s1 =	ssub.s32 @!p0 $0x0, s1;
	[sflag:s0] =	ssyncset.done @!p0 $0x0  }
0x6a: {  	[sflag:s0] =	ssyncadd.s32 @!p0 s1  }
0x6b: {  	[bflag:$0x3] =	sbarrier.arrive $0xFFFF  }
0x6c: {  	_ =	shalt  }

</sc_bundles>
